<compile_context>
chip_gen: v7x
topology: tpu7x:2x2x1
jax: 0.10.2.dev20260603
libtpu: 0.0.44.dev20260713+nightly
codegen_flags: <defaults>
</compile_context>

<pallas_src>
import jax
import jax.numpy as jnp
from jax import lax
from jax.experimental import pallas as pl
from jax.experimental.pallas import tpu as pltpu
from jax.experimental.pallas import tpu_sc as plsc

_N = 10000
_E = 320000
_NP = 10240
_NC = 2
_NS = 16
_CHUNK = _E // (_NC * _NS)
_VECS = _CHUNK // 16
_ZSL = _NP // _NS
_T = 7


def _sc_edge_body(ei_h, w_h, out_h,
                  src_v, dst_v, w_v, vs, zbuf, deg_acc, s_acc,
                  sem0, sem1, sem2, sem3):
    cid = lax.axis_index("c")
    sid = lax.axis_index("s")
    wid = cid * _NS + sid
    base = wid * _CHUNK

    cp_src = pltpu.async_copy(ei_h.at[pl.ds(base, _CHUNK)], src_v, sem0)
    cp_dst = pltpu.async_copy(ei_h.at[pl.ds(_E + base, _CHUNK)], dst_v, sem1)
    cp_w = pltpu.async_copy(w_h.at[pl.ds(base, _CHUNK)], w_v, sem2)

    def _zb(i, carry):
        zbuf[pl.ds(i * 16, 16)] = jnp.zeros((16,), jnp.float32)
        return carry
    lax.fori_loop(0, _ZSL // 16, _zb, 0)
    pltpu.sync_copy(zbuf, deg_acc.at[pl.ds(sid * _ZSL, _ZSL)])
    pltpu.sync_copy(zbuf, s_acc.at[pl.ds(sid * _ZSL, _ZSL)])
    plsc.subcore_barrier()

    cp_src.wait()
    cp_w.wait()
    cp_deg = pltpu.async_copy(w_v, deg_acc.at[src_v], sem3, add=True)

    cp_dst.wait()
    def _fill(i, carry):
        d16 = dst_v[pl.ds(i * 16, 16)]
        w16 = w_v[pl.ds(i * 16, 16)]
        vs[pl.ds(i * 16, 16)] = jnp.where(d16 == 0, w16,
                                          jnp.zeros((16,), jnp.float32))
        return carry
    lax.fori_loop(0, _VECS, _fill, 0)

    cp_deg.wait()
    pltpu.sync_copy(vs, s_acc.at[src_v], add=True)
    plsc.subcore_barrier()

    @pl.when(sid == 0)
    def _():
        pltpu.sync_copy(deg_acc, out_h.at[cid * 2])
        pltpu.sync_copy(s_acc, out_h.at[cid * 2 + 1])


def _sc_edge_pass(ei_flat, w):
    mesh = plsc.VectorSubcoreMesh(core_axis_name="c", subcore_axis_name="s",
                                  num_cores=_NC, num_subcores=_NS)
    return pl.kernel(
        _sc_edge_body,
        out_type=jax.ShapeDtypeStruct((4, _NP), jnp.float32),
        mesh=mesh,
        scratch_types=[
            pltpu.VMEM((_CHUNK,), jnp.int32),
            pltpu.VMEM((_CHUNK,), jnp.int32),
            pltpu.VMEM((_CHUNK,), jnp.float32),
            pltpu.VMEM((_CHUNK,), jnp.float32),
            pltpu.VMEM((_ZSL,), jnp.float32),
            pltpu.VMEM_SHARED((_NP,), jnp.float32),
            pltpu.VMEM_SHARED((_NP,), jnp.float32),
            pltpu.SemaphoreType.DMA,
            pltpu.SemaphoreType.DMA,
            pltpu.SemaphoreType.DMA,
            pltpu.SemaphoreType.DMA,
        ],
    )(ei_flat, w)


def _tc_body(p4_ref, x_ref, h_ref, c0_ref,
             Wxi_ref, Whi_ref, Wxf_ref, Whf_ref,
             Wxc_ref, Whc_ref, Wxo_ref, Who_ref,
             bxi_ref, bhi_ref, bi_ref, bxf_ref, bhf_ref, bf_ref,
             bxc_ref, bhc_ref, bc_ref, bxo_ref, bho_ref, bo_ref,
             wci_ref, wcf_ref, wco_ref,
             W_ih_ref, W_hh_ref, b_ih_ref, b_hh_ref, W_out_ref, b_out_ref,
             out_ref):
    HI = lax.Precision.HIGHEST
    p4 = p4_ref[...]
    deg = p4[0:1, :] + p4[2:3, :]
    s = p4[1:2, :] + p4[3:4, :]
    dinv = jnp.where(deg > 0, lax.rsqrt(jnp.maximum(deg, 1e-12)), 0.0)
    v = (dinv * s)[:, :_N]
    d0 = dinv[0:1, 0:1]

    x = x_ref[...]
    h = h_ref[...]
    lapx = -d0 * jnp.dot(v, x, precision=HI)
    laph = -d0 * jnp.dot(v, h, precision=HI)
    zx = jnp.concatenate([x[0:1, :], lapx], axis=1)
    zh = jnp.concatenate([h[0:1, :], laph], axis=1)
    c0 = c0_ref[...]

    def conv0(Wx_ref, Wh_ref, bx_ref, bh_ref, b_ref):
        return (jnp.dot(zx, Wx_ref[...], precision=HI)
                + jnp.dot(zh, Wh_ref[...], precision=HI)
                + bx_ref[...][None, :] + bh_ref[...][None, :] + b_ref[...])

    gi = jax.nn.sigmoid(conv0(Wxi_ref, Whi_ref, bxi_ref, bhi_ref, bi_ref)
                        + wci_ref[...] * c0)
    gf = jax.nn.sigmoid(conv0(Wxf_ref, Whf_ref, bxf_ref, bhf_ref, bf_ref)
                        + wcf_ref[...] * c0)
    gt = jnp.tanh(conv0(Wxc_ref, Whc_ref, bxc_ref, bhc_ref, bc_ref))
    cn = gf * c0 + gi * gt
    go = jax.nn.sigmoid(conv0(Wxo_ref, Who_ref, bxo_ref, bho_ref, bo_ref)
                        + wco_ref[...] * cn)
    hS = go * jnp.tanh(cn)
    cS = cn

    inp = x[0:1, 127:128]
    W_ih = W_ih_ref[...]
    W_hh = W_hh_ref[...]
    W_out = W_out_ref[...]
    bd = b_ih_ref[...][None, :] + b_hh_ref[...][None, :]
    b_out = b_out_ref[...][None, :]
    ct = (((1,), (1,)), ((), ()))
    outs = []
    for _ in range(_T):
        g = (inp * W_ih
             + lax.dot_general(hS, W_hh, ct, precision=HI) + bd)
        dgi = jax.nn.sigmoid(g[:, 0:128])
        dgf = jax.nn.sigmoid(g[:, 128:256])
        dgg = jnp.tanh(g[:, 256:384])
        dgo = jax.nn.sigmoid(g[:, 384:512])
        cS = dgf * cS + dgi * dgg
        hS = dgo * jnp.tanh(cS)
        dec = jnp.dot(hS, W_out, precision=HI) + b_out
        outs.append(dec)
        inp = dec
    out_ref[...] = jnp.concatenate(outs, axis=0)


def kernel(x, edge_index, edge_weight, h, c,
           Wx_i, bx_i, Wh_i, bh_i, b_i,
           Wx_f, bx_f, Wh_f, bh_f, b_f,
           Wx_c, bx_c, Wh_c, bh_c, b_c,
           Wx_o, bx_o, Wh_o, bh_o, b_o,
           wc_i, wc_f, wc_o,
           W_ih, W_hh, b_ih, b_hh, W_out, b_out):
    part = _sc_edge_pass(edge_index.reshape(2 * _E), edge_weight)

    pred = pl.pallas_call(
        _tc_body,
        out_shape=jax.ShapeDtypeStruct((_T, 1), jnp.float32),
    )(part, x, h, c[0:1],
      Wx_i.reshape(256, 128), Wh_i.reshape(256, 128),
      Wx_f.reshape(256, 128), Wh_f.reshape(256, 128),
      Wx_c.reshape(256, 128), Wh_c.reshape(256, 128),
      Wx_o.reshape(256, 128), Wh_o.reshape(256, 128),
      bx_i, bh_i, b_i, bx_f, bh_f, b_f,
      bx_c, bh_c, b_c, bx_o, bh_o, b_o,
      wc_i, wc_f, wc_o,
      W_ih.reshape(1, 512), W_hh, b_ih, b_hh, W_out.reshape(128, 1), b_out)
    return (pred, 0)

# --- scband reference (transcript-rebuilt; emitter-appended) ---
"""Pipeline reference for scband-lstmsequence-model-40235253629450 (READ-ONLY COPY).

The authoritative reference and input builder live on the scoring server;
editing this copy changes nothing except your own understanding.
"""

import jax, jax.numpy as jnp
import numpy as np

N = 10000
E = 320000
F = 128
H = 128
K = 2
T = 7
IDX = 0

def setup_inputs():
    ks = jax.random.split(jax.random.key(0), 64)
    inp = {}
    inp['x'] = jax.random.normal(ks[0], (N, F), dtype=jnp.float32)
    inp['edge_index'] = jax.random.randint(ks[1], (2, E), 0, N)
    inp['edge_weight'] = jax.random.uniform(ks[2], (E,), dtype=jnp.float32)
    inp['h'] = jax.random.normal(ks[3], (N, H), dtype=jnp.float32)
    inp['c'] = jax.random.normal(ks[4], (N, H), dtype=jnp.float32)
    ki = 5
    for g in ['i', 'f', 'c', 'o']:
        inp['Wx_' + g] = jax.random.normal(ks[ki], (K, F, H), dtype=jnp.float32) * 0.05
        ki += 1
        inp['bx_' + g] = jnp.zeros((H,), dtype=jnp.float32)
        inp['Wh_' + g] = jax.random.normal(ks[ki], (K, H, H), dtype=jnp.float32) * 0.05
        ki += 1
        inp['bh_' + g] = jnp.zeros((H,), dtype=jnp.float32)
        inp['b_' + g] = jnp.zeros((1, H), dtype=jnp.float32)
    for g in ['i', 'f', 'o']:
        inp['wc_' + g] = jax.random.normal(ks[ki], (1, H), dtype=jnp.float32) * 0.05
        ki += 1
    inp['W_ih'] = jax.random.normal(ks[ki], (4 * H, 1), dtype=jnp.float32) * 0.05
    ki += 1
    inp['W_hh'] = jax.random.normal(ks[ki], (4 * H, H), dtype=jnp.float32) * 0.05
    ki += 1
    inp['b_ih'] = jnp.zeros((4 * H,), dtype=jnp.float32)
    inp['b_hh'] = jnp.zeros((4 * H,), dtype=jnp.float32)
    inp['W_out'] = jax.random.normal(ks[ki], (1, H), dtype=jnp.float32) * 0.05
    ki += 1
    inp['b_out'] = jnp.zeros((1,), dtype=jnp.float32)
    return inp

def _cheb(z, W, b, lap_mul):
    # ChebConv with sym normalization, lambda_max=2 => L_hat = -D^-1/2 A D^-1/2 (zero diagonal)
    out = z @ W[0]
    if W.shape[0] > 1:
        Tx1 = lap_mul(z)
        out = out + Tx1 @ W[1]
        Tx_prev2, Tx_prev = z, Tx1
        for kk in range(2, W.shape[0]):
            Txk = 2.0 * lap_mul(Tx_prev) - Tx_prev2
            out = out + Txk @ W[kk]
            Tx_prev2, Tx_prev = Tx_prev, Txk
    return out + b

def _forward(x, edge_index, edge_weight, h, c, p):
    src = edge_index[0]
    dst = edge_index[1]
    deg = jax.ops.segment_sum(edge_weight, src, num_segments=N)
    dinv = jnp.where(deg > 0, jax.lax.rsqrt(jnp.maximum(deg, 1e-12)), 0.0)
    wn = -(dinv[src] * edge_weight * dinv[dst])
    def lap_mul(z):
        return jax.ops.segment_sum(wn[:, None] * z[src], dst, num_segments=N)
    def conv(z, g, which):
        return _cheb(z, p['W' + which + '_' + g], p['b' + which + '_' + g], lap_mul)
    # GConvLSTM cell (Seo et al.): Chebyshev graph-conv gates with peepholes
    I = jax.nn.sigmoid(conv(x, 'i', 'x') + conv(h, 'i', 'h') + p['wc_i'] * c + p['b_i'])
    Fg = jax.nn.sigmoid(conv(x, 'f', 'x') + conv(h, 'f', 'h') + p['wc_f'] * c + p['b_f'])
    Tg = jnp.tanh(conv(x, 'c', 'x') + conv(h, 'c', 'h') + p['b_c'])
    Cn = Fg * c + I * Tg
    O = jax.nn.sigmoid(conv(x, 'o', 'x') + conv(h, 'o', 'h') + p['wc_o'] * Cn + p['b_o'])
    Hn = O * jnp.tanh(Cn)
    hS = Hn[IDX:IDX + 1, :]
    cS = Cn[IDX:IDX + 1, :]
    inp_vec = x[IDX, -1:].reshape(1, 1)
    outs = []
    for t in range(T):
        gates = inp_vec @ p['W_ih'].T + p['b_ih'] + hS @ p['W_hh'].T + p['b_hh']
        gi, gf, gg, go = jnp.split(gates, 4, axis=1)
        gi = jax.nn.sigmoid(gi)
        gf = jax.nn.sigmoid(gf)
        gg = jnp.tanh(gg)
        go = jax.nn.sigmoid(go)
        cS = gf * cS + gi * gg
        hS = go * jnp.tanh(cS)
        dec = hS @ p['W_out'].T + p['b_out']
        outs.append(dec)
        inp_vec = dec
    prediction = jnp.squeeze(jnp.stack(outs, axis=0), axis=2)
    return prediction

def reference(x, edge_index, edge_weight, h, c,
              Wx_i, bx_i, Wh_i, bh_i, b_i,
              Wx_f, bx_f, Wh_f, bh_f, b_f,
              Wx_c, bx_c, Wh_c, bh_c, b_c,
              Wx_o, bx_o, Wh_o, bh_o, b_o,
              wc_i, wc_f, wc_o,
              W_ih, W_hh, b_ih, b_hh, W_out, b_out):
    p = {
        'Wx_i': Wx_i, 'bx_i': bx_i, 'Wh_i': Wh_i, 'bh_i': bh_i, 'b_i': b_i,
        'Wx_f': Wx_f, 'bx_f': bx_f, 'Wh_f': Wh_f, 'bh_f': bh_f, 'b_f': b_f,
        'Wx_c': Wx_c, 'bx_c': bx_c, 'Wh_c': Wh_c, 'bh_c': bh_c, 'b_c': b_c,
        'Wx_o': Wx_o, 'bx_o': bx_o, 'Wh_o': Wh_o, 'bh_o': bh_o, 'b_o': b_o,
        'wc_i': wc_i, 'wc_f': wc_f, 'wc_o': wc_o,
        'W_ih': W_ih, 'W_hh': W_hh, 'b_ih': b_ih, 'b_hh': b_hh,
        'W_out': W_out, 'b_out': b_out,
    }
    pred = _forward(x, edge_index, edge_weight, h, c, p)
    return (pred, IDX)

if __name__ == "__main__":
    import jax
    _d = setup_inputs()
    print(jax.jit(kernel)(*tuple(_d.values())))

</pallas_src>

<mosaic_0001>
#map = affine_map<(d0, d1) -> (0)>
#map1 = affine_map<(d0, d1) -> (0, 0)>
module attributes {stable_mosaic.version = 14 : i64} {
  func.func @_sc_edge_body(%arg0: i32, %arg1: i32, %arg2: memref<640000xi32, #tpu.memory_space<hbm>>, %arg3: memref<320000xf32, #tpu.memory_space<hbm>>, %arg4: memref<4x10240xf32, #tpu.memory_space<hbm>>, %arg5: memref<10000xi32, #tpu.memory_space<vmem>>, %arg6: memref<10000xi32, #tpu.memory_space<vmem>>, %arg7: memref<10000xf32, #tpu.memory_space<vmem>>, %arg8: memref<10000xf32, #tpu.memory_space<vmem>>, %arg9: memref<640xf32, #tpu.memory_space<vmem>>, %arg10: memref<10240xf32, #tpu.memory_space<vmem_shared>>, %arg11: memref<10240xf32, #tpu.memory_space<vmem_shared>>, %arg12: memref<!tpu.dma_semaphore, #tpu.memory_space<semaphore_mem>>, %arg13: memref<!tpu.dma_semaphore, #tpu.memory_space<semaphore_mem>>, %arg14: memref<!tpu.dma_semaphore, #tpu.memory_space<semaphore_mem>>, %arg15: memref<!tpu.dma_semaphore, #tpu.memory_space<semaphore_mem>>) attributes {dimension_semantics = [#tpu.dimension_semantics<core_parallel>, #tpu.dimension_semantics<subcore_parallel>], iteration_bounds = array<i64: 2, 16>, scalar_prefetch = 0 : i64, scratch_operands = 11 : i64, tpu.core_type = #tpu.core_type<sc_vector_subcore>, window_params = [{transform_indices = #map}, {transform_indices = #map}, {transform_indices = #map1}]} {
    %mul3A = arith.constant 16 : i32
    %mul3A_0 = arith.muli %arg0, %mul3A : i32
    %add3A = arith.addi %mul3A_0, %arg1 : i32
    %mul3A_1 = arith.constant 10000 : i32
    %mul3A_2 = arith.muli %add3A, %mul3A_1 : i32
    %dma_start3A = tpu.memref_slice %arg2[%mul3A_2] : memref<640000xi32, #tpu.memory_space<hbm>> -> memref<10000xi32, #tpu.memory_space<hbm>>
    %dma_start3A_3 = tpu.memref_slice %arg2[%mul3A_2] : memref<640000xi32, #tpu.memory_space<hbm>> -> memref<10000xi32, #tpu.memory_space<hbm>>
    tpu.enqueue_dma source(%dma_start3A_3 : memref<10000xi32, #tpu.memory_space<hbm>>) target(%arg5 : memref<10000xi32, #tpu.memory_space<vmem>>) target_semaphore(%arg12 : memref<!tpu.dma_semaphore, #tpu.memory_space<semaphore_mem>>)
    %add3A_4 = arith.constant 320000 : i32
    %add3A_5 = arith.addi %add3A_4, %mul3A_2 : i32
    %dma_start3A_6 = tpu.memref_slice %arg2[%add3A_5] : memref<640000xi32, #tpu.memory_space<hbm>> -> memref<10000xi32, #tpu.memory_space<hbm>>
    %dma_start3A_7 = tpu.memref_slice %arg2[%add3A_5] : memref<640000xi32, #tpu.memory_space<hbm>> -> memref<10000xi32, #tpu.memory_space<hbm>>
    tpu.enqueue_dma source(%dma_start3A_7 : memref<10000xi32, #tpu.memory_space<hbm>>) target(%arg6 : memref<10000xi32, #tpu.memory_space<vmem>>) target_semaphore(%arg13 : memref<!tpu.dma_semaphore, #tpu.memory_space<semaphore_mem>>)
    %dma_start3A_8 = tpu.memref_slice %arg3[%mul3A_2] : memref<320000xf32, #tpu.memory_space<hbm>> -> memref<10000xf32, #tpu.memory_space<hbm>>
    %dma_start3A_9 = tpu.memref_slice %arg3[%mul3A_2] : memref<320000xf32, #tpu.memory_space<hbm>> -> memref<10000xf32, #tpu.memory_space<hbm>>
    tpu.enqueue_dma source(%dma_start3A_9 : memref<10000xf32, #tpu.memory_space<hbm>>) target(%arg7 : memref<10000xf32, #tpu.memory_space<vmem>>) target_semaphore(%arg14 : memref<!tpu.dma_semaphore, #tpu.memory_space<semaphore_mem>>)
    %scan3A = arith.constant 0 : i32
    %scan3A_10 = arith.constant 0 : i32
    %scan3A_11 = arith.constant 40 : i32
    %scan3A_12 = arith.addi %scan3A_10, %scan3A_11 : i32
    %scan3A_13 = arith.constant 1 : i32
    scf.for %scan3A_37 = %scan3A_10 to %scan3A_12 step %scan3A_13  : i32 {
      %broadcast_in_dim3A = arith.constant 0.000000e+00 : f32
      %broadcast_in_dim3A_38 = vector.broadcast %broadcast_in_dim3A : f32 to vector<16xf32>
      %mul3A_39 = arith.constant 16 : i32
      %mul3A_40 = arith.muli %scan3A_37, %mul3A_39 : i32
      %swap3A = arith.index_cast %mul3A_40 : i32 to index
      %swap3A_41 = tpu.vector_load %arg9[%swap3A] {strides = array<i32>} : memref<640xf32, #tpu.memory_space<vmem>>, vector<16xf32>,
      %swap3A_42 = vector.shape_cast %swap3A_41 : vector<16xf32> to vector<16xf32>
      %swap3A_43 = vector.shape_cast %broadcast_in_dim3A_38 : vector<16xf32> to vector<16xf32>
      tpu.vector_store %arg9[%swap3A], %swap3A_43 {strides = array<i32>} : memref<640xf32, #tpu.memory_space<vmem>>, vector<16xf32>,
    }
    %scan3A_14 = arith.constant 40 : i32
    %mul3A_15 = arith.constant 640 : i32
    %mul3A_16 = arith.muli %arg1, %mul3A_15 : i32
    "tpu.region"() ({
      %run_scoped3A = tpu.sem_alloc : memref<!tpu.dma_semaphore, #tpu.memory_space<semaphore_mem>>
      %dma_start3A_37 = tpu.memref_slice %arg10[%mul3A_16] : memref<10240xf32, #tpu.memory_space<vmem_shared>> -> memref<640xf32, #tpu.memory_space<vmem_shared>>
      %dma_start3A_38 = tpu.memref_slice %arg10[%mul3A_16] : memref<10240xf32, #tpu.memory_space<vmem_shared>> -> memref<640xf32, #tpu.memory_space<vmem_shared>>
      tpu.enqueue_dma source(%arg9 : memref<640xf32, #tpu.memory_space<vmem>>) target(%dma_start3A_38 : memref<640xf32, #tpu.memory_space<vmem_shared>>) target_semaphore(%run_scoped3A : memref<!tpu.dma_semaphore, #tpu.memory_space<semaphore_mem>>)
      %dma_wait3A_39 = tpu.memref_slice %arg10[%mul3A_16] : memref<10240xf32, #tpu.memory_space<vmem_shared>> -> memref<640xf32, #tpu.memory_space<vmem_shared>>
      %dma_wait3A_40 = tpu.memref_slice %arg10[%mul3A_16] : memref<10240xf32, #tpu.memory_space<vmem_shared>> -> memref<640xf32, #tpu.memory_space<vmem_shared>>
      tpu.wait_dma2 semaphore(%run_scoped3A : memref<!tpu.dma_semaphore, #tpu.memory_space<semaphore_mem>>) src(%arg9 : memref<640xf32, #tpu.memory_space<vmem>>) dst(%dma_wait3A_40 : memref<640xf32, #tpu.memory_space<vmem_shared>>)
      tpu.yield
    }) : () -> ()
    %mul3A_17 = arith.constant 640 : i32
    %mul3A_18 = arith.muli %arg1, %mul3A_17 : i32
    "tpu.region"() ({
      %run_scoped3A = tpu.sem_alloc : memref<!tpu.dma_semaphore, #tpu.memory_space<semaphore_mem>>
      %dma_start3A_37 = tpu.memref_slice %arg11[%mul3A_18] : memref<10240xf32, #tpu.memory_space<vmem_shared>> -> memref<640xf32, #tpu.memory_space<vmem_shared>>
      %dma_start3A_38 = tpu.memref_slice %arg11[%mul3A_18] : memref<10240xf32, #tpu.memory_space<vmem_shared>> -> memref<640xf32, #tpu.memory_space<vmem_shared>>
      tpu.enqueue_dma source(%arg9 : memref<640xf32, #tpu.memory_space<vmem>>) target(%dma_start3A_38 : memref<640xf32, #tpu.memory_space<vmem_shared>>) target_semaphore(%run_scoped3A : memref<!tpu.dma_semaphore, #tpu.memory_space<semaphore_mem>>)
      %dma_wait3A_39 = tpu.memref_slice %arg11[%mul3A_18] : memref<10240xf32, #tpu.memory_space<vmem_shared>> -> memref<640xf32, #tpu.memory_space<vmem_shared>>
      %dma_wait3A_40 = tpu.memref_slice %arg11[%mul3A_18] : memref<10240xf32, #tpu.memory_space<vmem_shared>> -> memref<640xf32, #tpu.memory_space<vmem_shared>>
      tpu.wait_dma2 semaphore(%run_scoped3A : memref<!tpu.dma_semaphore, #tpu.memory_space<semaphore_mem>>) src(%arg9 : memref<640xf32, #tpu.memory_space<vmem>>) dst(%dma_wait3A_40 : memref<640xf32, #tpu.memory_space<vmem_shared>>)
      tpu.yield
    }) : () -> ()
    %barrier3A = arith.constant 0 : index
    tpu.barrier barrier_id(%barrier3A)
    %dma_wait3A = tpu.memref_slice %arg2[%mul3A_2] : memref<640000xi32, #tpu.memory_space<hbm>> -> memref<10000xi32, #tpu.memory_space<hbm>>
    %dma_wait3A_19 = tpu.memref_slice %arg2[%mul3A_2] : memref<640000xi32, #tpu.memory_space<hbm>> -> memref<10000xi32, #tpu.memory_space<hbm>>
    tpu.wait_dma2 semaphore(%arg12 : memref<!tpu.dma_semaphore, #tpu.memory_space<semaphore_mem>>) src(%dma_wait3A_19 : memref<10000xi32, #tpu.memory_space<hbm>>) dst(%arg5 : memref<10000xi32, #tpu.memory_space<vmem>>)
    %dma_wait3A_20 = tpu.memref_slice %arg3[%mul3A_2] : memref<320000xf32, #tpu.memory_space<hbm>> -> memref<10000xf32, #tpu.memory_space<hbm>>
    %dma_wait3A_21 = tpu.memref_slice %arg3[%mul3A_2] : memref<320000xf32, #tpu.memory_space<hbm>> -> memref<10000xf32, #tpu.memory_space<hbm>>
    tpu.wait_dma2 semaphore(%arg14 : memref<!tpu.dma_semaphore, #tpu.memory_space<semaphore_mem>>) src(%dma_wait3A_21 : memref<10000xf32, #tpu.memory_space<hbm>>) dst(%arg7 : memref<10000xf32, #tpu.memory_space<vmem>>)
    %dma_start3A_22 = arith.constant 0 : i32
    %dma_start3A_23 = tpu.memref_slice %arg10[%dma_start3A_22] : memref<10240xf32, #tpu.memory_space<vmem_shared>> -> memref<10240xf32, #tpu.memory_space<vmem_shared>>
    tpu.enqueue_indirect_dma source(%arg7 : memref<10000xf32, #tpu.memory_space<vmem>>) target(%dma_start3A_23 : memref<10240xf32, #tpu.memory_space<vmem_shared>>) offsets(%arg5 : memref<10000xi32, #tpu.memory_space<vmem>>) semaphore(%arg15 : memref<!tpu.dma_semaphore, #tpu.memory_space<semaphore_mem>>) {add = true}
    %dma_wait3A_24 = tpu.memref_slice %arg2[%add3A_5] : memref<640000xi32, #tpu.memory_space<hbm>> -> memref<10000xi32, #tpu.memory_space<hbm>>
    %dma_wait3A_25 = tpu.memref_slice %arg2[%add3A_5] : memref<640000xi32, #tpu.memory_space<hbm>> -> memref<10000xi32, #tpu.memory_space<hbm>>
    tpu.wait_dma2 semaphore(%arg13 : memref<!tpu.dma_semaphore, #tpu.memory_space<semaphore_mem>>) src(%dma_wait3A_25 : memref<10000xi32, #tpu.memory_space<hbm>>) dst(%arg6 : memref<10000xi32, #tpu.memory_space<vmem>>)
    %scan3A_26 = arith.constant 0 : i32
    %scan3A_27 = arith.constant 0 : i32
    %scan3A_28 = arith.constant 625 : i32
    %scan3A_29 = arith.addi %scan3A_27, %scan3A_28 : i32
    %scan3A_30 = arith.constant 1 : i32
    scf.for %scan3A_37 = %scan3A_27 to %scan3A_29 step %scan3A_30  : i32 {
      %mul3A_38 = arith.constant 16 : i32
      %mul3A_39 = arith.muli %scan3A_37, %mul3A_38 : i32
      %get3A = arith.index_cast %mul3A_39 : i32 to index
      %get3A_40 = tpu.vector_load %arg6[%get3A] {strides = array<i32>} : memref<10000xi32, #tpu.memory_space<vmem>>, vector<16xi32>,
      %get3A_41 = vector.shape_cast %get3A_40 : vector<16xi32> to vector<16xi32>
      %mul3A_42 = arith.constant 16 : i32
      %mul3A_43 = arith.muli %scan3A_37, %mul3A_42 : i32
      %get3A_44 = arith.index_cast %mul3A_43 : i32 to index
      %get3A_45 = tpu.vector_load %arg7[%get3A_44] {strides = array<i32>} : memref<10000xf32, #tpu.memory_space<vmem>>, vector<16xf32>,
      %get3A_46 = vector.shape_cast %get3A_45 : vector<16xf32> to vector<16xf32>
      %eq3A_47 = arith.constant 0 : i32
      %eq3A_48 = vector.broadcast %eq3A_47 : i32 to vector<16xi32>
      %eq3A_49 = arith.cmpi eq, %get3A_41, %eq3A_48 : vector<16xi32>
      %broadcast_in_dim3A = arith.constant 0.000000e+00 : f32
      %broadcast_in_dim3A_50 = vector.broadcast %broadcast_in_dim3A : f32 to vector<16xf32>
      %select_n3A = arith.select %eq3A_49, %get3A_46, %broadcast_in_dim3A_50 : vector<16xi1>, vector<16xf32>
      %mul3A_51 = arith.constant 16 : i32
      %mul3A_52 = arith.muli %scan3A_37, %mul3A_51 : i32
      %swap3A = arith.index_cast %mul3A_52 : i32 to index
      %swap3A_53 = tpu.vector_load %arg8[%swap3A] {strides = array<i32>} : memref<10000xf32, #tpu.memory_space<vmem>>, vector<16xf32>,
      %swap3A_54 = vector.shape_cast %swap3A_53 : vector<16xf32> to vector<16xf32>
      %swap3A_55 = vector.shape_cast %select_n3A : vector<16xf32> to vector<16xf32>
      tpu.vector_store %arg8[%swap3A], %swap3A_55 {strides = array<i32>} : memref<10000xf32, #tpu.memory_space<vmem>>, vector<16xf32>,
    }
    %scan3A_31 = arith.constant 625 : i32
    %dma_wait3A_32 = arith.constant 0 : i32
    %dma_wait3A_33 = tpu.memref_slice %arg10[%dma_wait3A_32] : memref<10240xf32, #tpu.memory_space<vmem_shared>> -> memref<10240xf32, #tpu.memory_space<vmem_shared>>
    tpu.wait_indirect_dma semaphore(%arg15 : memref<!tpu.dma_semaphore, #tpu.memory_space<semaphore_mem>>) src(%arg7 : memref<10000xf32, #tpu.memory_space<vmem>>) dst(%dma_wait3A_33 : memref<10240xf32, #tpu.memory_space<vmem_shared>>)
    "tpu.region"() ({
      %run_scoped3A = tpu.sem_alloc : memref<!tpu.dma_semaphore, #tpu.memory_space<semaphore_mem>>
      %dma_start3A_37 = arith.constant 0 : i32
      %dma_start3A_38 = tpu.memref_slice %arg11[%dma_start3A_37] : memref<10240xf32, #tpu.memory_space<vmem_shared>> -> memref<10240xf32, #tpu.memory_space<vmem_shared>>
      tpu.enqueue_indirect_dma source(%arg8 : memref<10000xf32, #tpu.memory_space<vmem>>) target(%dma_start3A_38 : memref<10240xf32, #tpu.memory_space<vmem_shared>>) offsets(%arg5 : memref<10000xi32, #tpu.memory_space<vmem>>) semaphore(%run_scoped3A : memref<!tpu.dma_semaphore, #tpu.memory_space<semaphore_mem>>) {add = true}
      %dma_wait3A_39 = arith.constant 0 : i32
      %dma_wait3A_40 = tpu.memref_slice %arg11[%dma_wait3A_39] : memref<10240xf32, #tpu.memory_space<vmem_shared>> -> memref<10240xf32, #tpu.memory_space<vmem_shared>>
      tpu.wait_indirect_dma semaphore(%run_scoped3A : memref<!tpu.dma_semaphore, #tpu.memory_space<semaphore_mem>>) src(%arg8 : memref<10000xf32, #tpu.memory_space<vmem>>) dst(%dma_wait3A_40 : memref<10240xf32, #tpu.memory_space<vmem_shared>>)
      tpu.yield
    }) : () -> ()
    %barrier3A_34 = arith.constant 0 : index
    tpu.barrier barrier_id(%barrier3A_34)
    %eq3A = arith.constant 0 : i32
    %eq3A_35 = arith.cmpi eq, %arg1, %eq3A : i32
    %convert_element_type3A = arith.extui %eq3A_35 : i1 to i32
    %cond3A = arith.constant 0 : i32
    %cond3A_36 = arith.cmpi ne, %convert_element_type3A, %cond3A : i32
    scf.if %cond3A_36 {
      %mul3A_37 = arith.constant 2 : i32
      %mul3A_38 = arith.muli %arg0, %mul3A_37 : i32
      "tpu.region"() ({
        %run_scoped3A = tpu.sem_alloc : memref<!tpu.dma_semaphore, #tpu.memory_space<semaphore_mem>>
        %dma_start3A_43 = arith.constant 0 : i32
        %dma_start3A_44 = tpu.memref_slice %arg4[%mul3A_38, %dma_start3A_43] : memref<4x10240xf32, #tpu.memory_space<hbm>> -> memref<1x10240xf32, #tpu.memory_space<hbm>>
        %dma_start3A_45 = tpu.memref_squeeze %dma_start3A_44 : memref<1x10240xf32, #tpu.memory_space<hbm>> -> memref<10240xf32, #tpu.memory_space<hbm>>
        tpu.enqueue_dma source(%arg10 : memref<10240xf32, #tpu.memory_space<vmem_shared>>) target(%dma_start3A_45 : memref<10240xf32, #tpu.memory_space<hbm>>) target_semaphore(%run_scoped3A : memref<!tpu.dma_semaphore, #tpu.memory_space<semaphore_mem>>)
        %dma_wait3A_46 = arith.constant 0 : i32
        %dma_wait3A_47 = tpu.memref_slice %arg4[%mul3A_38, %dma_wait3A_46] : memref<4x10240xf32, #tpu.memory_space<hbm>> -> memref<1x10240xf32, #tpu.memory_space<hbm>>
        %dma_wait3A_48 = tpu.memref_squeeze %dma_wait3A_47 : memref<1x10240xf32, #tpu.memory_space<hbm>> -> memref<10240xf32, #tpu.memory_space<hbm>>
        tpu.wait_dma2 semaphore(%run_scoped3A : memref<!tpu.dma_semaphore, #tpu.memory_space<semaphore_mem>>) src(%arg10 : memref<10240xf32, #tpu.memory_space<vmem_shared>>) dst(%dma_wait3A_48 : memref<10240xf32, #tpu.memory_space<hbm>>)
        tpu.yield
      }) : () -> ()
      %mul3A_39 = arith.constant 2 : i32
      %mul3A_40 = arith.muli %arg0, %mul3A_39 : i32
      %add3A_41 = arith.constant 1 : i32
      %add3A_42 = arith.addi %mul3A_40, %add3A_41 : i32
      "tpu.region"() ({
        %run_scoped3A = tpu.sem_alloc : memref<!tpu.dma_semaphore, #tpu.memory_space<semaphore_mem>>
        %dma_start3A_43 = arith.constant 0 : i32
        %dma_start3A_44 = tpu.memref_slice %arg4[%add3A_42, %dma_start3A_43] : memref<4x10240xf32, #tpu.memory_space<hbm>> -> memref<1x10240xf32, #tpu.memory_space<hbm>>
        %dma_start3A_45 = tpu.memref_squeeze %dma_start3A_44 : memref<1x10240xf32, #tpu.memory_space<hbm>> -> memref<10240xf32, #tpu.memory_space<hbm>>
        tpu.enqueue_dma source(%arg11 : memref<10240xf32, #tpu.memory_space<vmem_shared>>) target(%dma_start3A_45 : memref<10240xf32, #tpu.memory_space<hbm>>) target_semaphore(%run_scoped3A : memref<!tpu.dma_semaphore, #tpu.memory_space<semaphore_mem>>)
        %dma_wait3A_46 = arith.constant 0 : i32
        %dma_wait3A_47 = tpu.memref_slice %arg4[%add3A_42, %dma_wait3A_46] : memref<4x10240xf32, #tpu.memory_space<hbm>> -> memref<1x10240xf32, #tpu.memory_space<hbm>>
        %dma_wait3A_48 = tpu.memref_squeeze %dma_wait3A_47 : memref<1x10240xf32, #tpu.memory_space<hbm>> -> memref<10240xf32, #tpu.memory_space<hbm>>
        tpu.wait_dma2 semaphore(%run_scoped3A : memref<!tpu.dma_semaphore, #tpu.memory_space<semaphore_mem>>) src(%arg11 : memref<10240xf32, #tpu.memory_space<vmem_shared>>) dst(%dma_wait3A_48 : memref<10240xf32, #tpu.memory_space<hbm>>)
        tpu.yield
      }) : () -> ()
    } else {
    }
    return
  }
}

module attributes {stable_mosaic.version = 14 : i64} {
  func.func @_tc_body(%arg0: memref<4x10240xf32, #tpu.memory_space<vmem>>, %arg1: memref<10000x128xf32, #tpu.memory_space<vmem>>, %arg2: memref<10000x128xf32, #tpu.memory_space<vmem>>, %arg3: memref<1x128xf32, #tpu.memory_space<vmem>>, %arg4: memref<256x128xf32, #tpu.memory_space<vmem>>, %arg5: memref<256x128xf32, #tpu.memory_space<vmem>>, %arg6: memref<256x128xf32, #tpu.memory_space<vmem>>, %arg7: memref<256x128xf32, #tpu.memory_space<vmem>>, %arg8: memref<256x128xf32, #tpu.memory_space<vmem>>, %arg9: memref<256x128xf32, #tpu.memory_space<vmem>>, %arg10: memref<256x128xf32, #tpu.memory_space<vmem>>, %arg11: memref<256x128xf32, #tpu.memory_space<vmem>>, %arg12: memref<128xf32, #tpu.memory_space<vmem>>, %arg13: memref<128xf32, #tpu.memory_space<vmem>>, %arg14: memref<1x128xf32, #tpu.memory_space<vmem>>, %arg15: memref<128xf32, #tpu.memory_space<vmem>>, %arg16: memref<128xf32, #tpu.memory_space<vmem>>, %arg17: memref<1x128xf32, #tpu.memory_space<vmem>>, %arg18: memref<128xf32, #tpu.memory_space<vmem>>, %arg19: memref<128xf32, #tpu.memory_space<vmem>>, %arg20: memref<1x128xf32, #tpu.memory_space<vmem>>, %arg21: memref<128xf32, #tpu.memory_space<vmem>>, %arg22: memref<128xf32, #tpu.memory_space<vmem>>, %arg23: memref<1x128xf32, #tpu.memory_space<vmem>>, %arg24: memref<1x128xf32, #tpu.memory_space<vmem>>, %arg25: memref<1x128xf32, #tpu.memory_space<vmem>>, %arg26: memref<1x128xf32, #tpu.memory_space<vmem>>, %arg27: memref<1x512xf32, #tpu.memory_space<vmem>>, %arg28: memref<512x128xf32, #tpu.memory_space<vmem>>, %arg29: memref<512xf32, #tpu.memory_space<vmem>>, %arg30: memref<512xf32, #tpu.memory_space<vmem>>, %arg31: memref<128x1xf32, #tpu.memory_space<vmem>>, %arg32: memref<1xf32, #tpu.memory_space<vmem>>, %arg33: memref<7x1xf32, #tpu.memory_space<vmem>>) attributes {dimension_semantics = [], scalar_prefetch = 0 : i64, scratch_operands = 0 : i64, tpu.core_type = #tpu.core_type<tc>} {
    %get3A = arith.constant 0 : index
    %get3A_0 = arith.constant 0 : index
    %get3A_1 = vector.load %arg0[%get3A, %get3A_0] : memref<4x10240xf32, #tpu.memory_space<vmem>>, vector<4x10240xf32>
    %slice3A = vector.extract_strided_slice %get3A_1 {offsets = [0, 0], sizes = [1, 10240], strides = [1, 1]} : vector<4x10240xf32> to vector<1x10240xf32>
    %slice3A_2 = vector.extract_strided_slice %get3A_1 {offsets = [2, 0], sizes = [1, 10240], strides = [1, 1]} : vector<4x10240xf32> to vector<1x10240xf32>
    %add3A = arith.addf %slice3A, %slice3A_2 : vector<1x10240xf32>
    %slice3A_3 = vector.extract_strided_slice %get3A_1 {offsets = [1, 0], sizes = [1, 10240], strides = [1, 1]} : vector<4x10240xf32> to vector<1x10240xf32>
    %slice3A_4 = vector.extract_strided_slice %get3A_1 {offsets = [3, 0], sizes = [1, 10240], strides = [1, 1]} : vector<4x10240xf32> to vector<1x10240xf32>
    %add3A_5 = arith.addf %slice3A_3, %slice3A_4 : vector<1x10240xf32>
    %gt3A = arith.constant 0.000000e+00 : f32
    %gt3A_6 = vector.broadcast %gt3A : f32 to vector<1x10240xf32>
    %gt3A_7 = arith.cmpf ogt, %add3A, %gt3A_6 : vector<1x10240xf32>
    %max3A = arith.constant 9.99999996E-13 : f32
    %max3A_8 = vector.broadcast %max3A : f32 to vector<1x10240xf32>
    %max3A_9 = arith.maximumf %add3A, %max3A_8 : vector<1x10240xf32>
    %rsqrt3A = math.rsqrt %max3A_9 : vector<1x10240xf32>
    %jit3A = arith.constant 0.000000e+00 : f32
    %broadcast_in_dim3A = vector.broadcast %jit3A : f32 to vector<1x10240xf32>
    %select_n3A = arith.select %gt3A_7, %rsqrt3A, %broadcast_in_dim3A : vector<1x10240xi1>, vector<1x10240xf32>
    %mul3A = arith.mulf %select_n3A, %add3A_5 : vector<1x10240xf32>
    %slice3A_10 = vector.extract_strided_slice %mul3A {offsets = [0, 0], sizes = [1, 10000], strides = [1, 1]} : vector<1x10240xf32> to vector<1x10000xf32>
    %slice3A_11 = vector.extract_strided_slice %select_n3A {offsets = [0, 0], sizes = [1, 1], strides = [1, 1]} : vector<1x10240xf32> to vector<1x1xf32>
    %get3A_12 = arith.constant 0 : index
    %get3A_13 = arith.constant 0 : index
    %get3A_14 = vector.load %arg1[%get3A_12, %get3A_13] : memref<10000x128xf32, #tpu.memory_space<vmem>>, vector<10000x128xf32>
    %get3A_15 = arith.constant 0 : index
    %get3A_16 = arith.constant 0 : index
    %get3A_17 = vector.load %arg2[%get3A_15, %get3A_16] : memref<10000x128xf32, #tpu.memory_space<vmem>>, vector<10000x128xf32>
    %neg3A = arith.constant 0.000000e+00 : f32
    %neg3A_18 = vector.broadcast %neg3A : f32 to vector<1x1xf32>
    %neg3A_19 = arith.subf %neg3A_18, %slice3A_11 : vector<1x1xf32>
    %dot_general3A = arith.constant dense<0.000000e+00> : vector<1x128xf32>
    %dot_general3A_20 = tpu.matmul %slice3A_10, %get3A_14, %dot_general3A {dimension_numbers = #tpu.dot_dimension_numbers<[1], [0], [0], [1], [0, 0, 1, 1], [], []>, precision = #tpu.contract_precision<fp32>, transpose_lhs_hint = false} : vector<1x10000xf32>, vector<10000x128xf32>, vector<1x128xf32> -> vector<1x128xf32>
    %mul3A_21 = vector.broadcast %neg3A_19 : vector<1x1xf32> to vector<1x128xf32>
    %mul3A_22 = arith.mulf %mul3A_21, %dot_general3A_20 : vector<1x128xf32>
    %neg3A_23 = arith.constant 0.000000e+00 : f32
    %neg3A_24 = vector.broadcast %neg3A_23 : f32 to vector<1x1xf32>
    %neg3A_25 = arith.subf %neg3A_24, %slice3A_11 : vector<1x1xf32>
    %dot_general3A_26 = arith.constant dense<0.000000e+00> : vector<1x128xf32>
    %dot_general3A_27 = tpu.matmul %slice3A_10, %get3A_17, %dot_general3A_26 {dimension_numbers = #tpu.dot_dimension_numbers<[1], [0], [0], [1], [0, 0, 1, 1], [], []>, precision = #tpu.contract_precision<fp32>, transpose_lhs_hint = false} : vector<1x10000xf32>, vector<10000x128xf32>, vector<1x128xf32> -> vector<1x128xf32>
    %mul3A_28 = vector.broadcast %neg3A_25 : vector<1x1xf32> to vector<1x128xf32>
    %mul3A_29 = arith.mulf %mul3A_28, %dot_general3A_27 : vector<1x128xf32>
    %slice3A_30 = vector.extract_strided_slice %get3A_14 {offsets = [0, 0], sizes = [1, 128], strides = [1, 1]} : vector<10000x128xf32> to vector<1x128xf32>
    %concatenate3A = tpu.concatenate %slice3A_30, %mul3A_22 in 1 : vector<1x128xf32>, vector<1x128xf32> -> vector<1x256xf32>
    %slice3A_31 = vector.extract_strided_slice %get3A_17 {offsets = [0, 0], sizes = [1, 128], strides = [1, 1]} : vector<10000x128xf32> to vector<1x128xf32>
    %concatenate3A_32 = tpu.concatenate %slice3A_31, %mul3A_29 in 1 : vector<1x128xf32>, vector<1x128xf32> -> vector<1x256xf32>
    %get3A_33 = arith.constant 0 : index
    %get3A_34 = arith.constant 0 : index
    %get3A_35 = vector.load %arg3[%get3A_33, %get3A_34] : memref<1x128xf32, #tpu.memory_space<vmem>>, vector<1x128xf32>
    %get3A_36 = arith.constant 0 : index
    %get3A_37 = arith.constant 0 : index
    %get3A_38 = vector.load %arg4[%get3A_36, %get3A_37] : memref<256x128xf32, #tpu.memory_space<vmem>>, vector<256x128xf32>
    %dot_general3A_39 = arith.constant dense<0.000000e+00> : vector<1x128xf32>
    %dot_general3A_40 = tpu.matmul %concatenate3A, %get3A_38, %dot_general3A_39 {dimension_numbers = #tpu.dot_dimension_numbers<[1], [0], [0], [1], [0, 0, 1, 1], [], []>, precision = #tpu.contract_precision<fp32>, transpose_lhs_hint = false} : vector<1x256xf32>, vector<256x128xf32>, vector<1x128xf32> -> vector<1x128xf32>
    %get3A_41 = arith.constant 0 : index
    %get3A_42 = arith.constant 0 : index
    %get3A_43 = vector.load %arg5[%get3A_41, %get3A_42] : memref<256x128xf32, #tpu.memory_space<vmem>>, vector<256x128xf32>
    %dot_general3A_44 = arith.constant dense<0.000000e+00> : vector<1x128xf32>
    %dot_general3A_45 = tpu.matmul %concatenate3A_32, %get3A_43, %dot_general3A_44 {dimension_numbers = #tpu.dot_dimension_numbers<[1], [0], [0], [1], [0, 0, 1, 1], [], []>, precision = #tpu.contract_precision<fp32>, transpose_lhs_hint = false} : vector<1x256xf32>, vector<256x128xf32>, vector<1x128xf32> -> vector<1x128xf32>
    %add3A_46 = arith.addf %dot_general3A_40, %dot_general3A_45 : vector<1x128xf32>
    %get3A_47 = arith.constant 0 : index
    %get3A_48 = vector.load %arg12[%get3A_47] : memref<128xf32, #tpu.memory_space<vmem>>, vector<128xf32>
    %broadcast_in_dim3A_49 = vector.shape_cast %get3A_48 : vector<128xf32> to vector<1x128xf32>
    %add3A_50 = arith.addf %add3A_46, %broadcast_in_dim3A_49 : vector<1x128xf32>
    %get3A_51 = arith.constant 0 : index
    %get3A_52 = vector.load %arg13[%get3A_51] : memref<128xf32, #tpu.memory_space<vmem>>, vector<128xf32>
    %broadcast_in_dim3A_53 = vector.shape_cast %get3A_52 : vector<128xf32> to vector<1x128xf32>
    %add3A_54 = arith.addf %add3A_50, %broadcast_in_dim3A_53 : vector<1x128xf32>
    %get3A_55 = arith.constant 0 : index
    %get3A_56 = arith.constant 0 : index
    %get3A_57 = vector.load %arg14[%get3A_55, %get3A_56] : memref<1x128xf32, #tpu.memory_space<vmem>>, vector<1x128xf32>
    %add3A_58 = arith.addf %add3A_54, %get3A_57 : vector<1x128xf32>
    %get3A_59 = arith.constant 0 : index
    %get3A_60 = arith.constant 0 : index
    %get3A_61 = vector.load %arg24[%get3A_59, %get3A_60] : memref<1x128xf32, #tpu.memory_space<vmem>>, vector<1x128xf32>
    %mul3A_62 = arith.mulf %get3A_61, %get3A_35 : vector<1x128xf32>
    %add3A_63 = arith.addf %add3A_58, %mul3A_62 : vector<1x128xf32>
    %logistic3A = arith.negf %add3A_63 : vector<1x128xf32>
    %logistic3A_64 = math.exp %logistic3A : vector<1x128xf32>
    %logistic3A_65 = arith.constant 1.000000e+00 : f32
    %logistic3A_66 = vector.broadcast %logistic3A_65 : f32 to vector<1x128xf32>
    %logistic3A_67 = arith.addf %logistic3A_66, %logistic3A_64 : vector<1x128xf32>
    %logistic3A_68 = arith.divf %logistic3A_66, %logistic3A_67 : vector<1x128xf32>
    %get3A_69 = arith.constant 0 : index
    %get3A_70 = arith.constant 0 : index
    %get3A_71 = vector.load %arg6[%get3A_69, %get3A_70] : memref<256x128xf32, #tpu.memory_space<vmem>>, vector<256x128xf32>
    %dot_general3A_72 = arith.constant dense<0.000000e+00> : vector<1x128xf32>
    %dot_general3A_73 = tpu.matmul %concatenate3A, %get3A_71, %dot_general3A_72 {dimension_numbers = #tpu.dot_dimension_numbers<[1], [0], [0], [1], [0, 0, 1, 1], [], []>, precision = #tpu.contract_precision<fp32>, transpose_lhs_hint = false} : vector<1x256xf32>, vector<256x128xf32>, vector<1x128xf32> -> vector<1x128xf32>
    %get3A_74 = arith.constant 0 : index
    %get3A_75 = arith.constant 0 : index
    %get3A_76 = vector.load %arg7[%get3A_74, %get3A_75] : memref<256x128xf32, #tpu.memory_space<vmem>>, vector<256x128xf32>
    %dot_general3A_77 = arith.constant dense<0.000000e+00> : vector<1x128xf32>
    %dot_general3A_78 = tpu.matmul %concatenate3A_32, %get3A_76, %dot_general3A_77 {dimension_numbers = #tpu.dot_dimension_numbers<[1], [0], [0], [1], [0, 0, 1, 1], [], []>, precision = #tpu.contract_precision<fp32>, transpose_lhs_hint = false} : vector<1x256xf32>, vector<256x128xf32>, vector<1x128xf32> -> vector<1x128xf32>
    %add3A_79 = arith.addf %dot_general3A_73, %dot_general3A_78 : vector<1x128xf32>
    %get3A_80 = arith.constant 0 : index
    %get3A_81 = vector.load %arg15[%get3A_80] : memref<128xf32, #tpu.memory_space<vmem>>, vector<128xf32>
    %broadcast_in_dim3A_82 = vector.shape_cast %get3A_81 : vector<128xf32> to vector<1x128xf32>
    %add3A_83 = arith.addf %add3A_79, %broadcast_in_dim3A_82 : vector<1x128xf32>
    %get3A_84 = arith.constant 0 : index
    %get3A_85 = vector.load %arg16[%get3A_84] : memref<128xf32, #tpu.memory_space<vmem>>, vector<128xf32>
    %broadcast_in_dim3A_86 = vector.shape_cast %get3A_85 : vector<128xf32> to vector<1x128xf32>
    %add3A_87 = arith.addf %add3A_83, %broadcast_in_dim3A_86 : vector<1x128xf32>
    %get3A_88 = arith.constant 0 : index
    %get3A_89 = arith.constant 0 : index
    %get3A_90 = vector.load %arg17[%get3A_88, %get3A_89] : memref<1x128xf32, #tpu.memory_space<vmem>>, vector<1x128xf32>
    %add3A_91 = arith.addf %add3A_87, %get3A_90 : vector<1x128xf32>
    %get3A_92 = arith.constant 0 : index
    %get3A_93 = arith.constant 0 : index
    %get3A_94 = vector.load %arg25[%get3A_92, %get3A_93] : memref<1x128xf32, #tpu.memory_space<vmem>>, vector<1x128xf32>
    %mul3A_95 = arith.mulf %get3A_94, %get3A_35 : vector<1x128xf32>
    %add3A_96 = arith.addf %add3A_91, %mul3A_95 : vector<1x128xf32>
    %logistic3A_97 = arith.negf %add3A_96 : vector<1x128xf32>
    %logistic3A_98 = math.exp %logistic3A_97 : vector<1x128xf32>
    %logistic3A_99 = arith.constant 1.000000e+00 : f32
    %logistic3A_100 = vector.broadcast %logistic3A_99 : f32 to vector<1x128xf32>
    %logistic3A_101 = arith.addf %logistic3A_100, %logistic3A_98 : vector<1x128xf32>
    %logistic3A_102 = arith.divf %logistic3A_100, %logistic3A_101 : vector<1x128xf32>
    %get3A_103 = arith.constant 0 : index
    %get3A_104 = arith.constant 0 : index
    %get3A_105 = vector.load %arg8[%get3A_103, %get3A_104] : memref<256x128xf32, #tpu.memory_space<vmem>>, vector<256x128xf32>
    %dot_general3A_106 = arith.constant dense<0.000000e+00> : vector<1x128xf32>
    %dot_general3A_107 = tpu.matmul %concatenate3A, %get3A_105, %dot_general3A_106 {dimension_numbers = #tpu.dot_dimension_numbers<[1], [0], [0], [1], [0, 0, 1, 1], [], []>, precision = #tpu.contract_precision<fp32>, transpose_lhs_hint = false} : vector<1x256xf32>, vector<256x128xf32>, vector<1x128xf32> -> vector<1x128xf32>
    %get3A_108 = arith.constant 0 : index
    %get3A_109 = arith.constant 0 : index
    %get3A_110 = vector.load %arg9[%get3A_108, %get3A_109] : memref<256x128xf32, #tpu.memory_space<vmem>>, vector<256x128xf32>
    %dot_general3A_111 = arith.constant dense<0.000000e+00> : vector<1x128xf32>
    %dot_general3A_112 = tpu.matmul %concatenate3A_32, %get3A_110, %dot_general3A_111 {dimension_numbers = #tpu.dot_dimension_numbers<[1], [0], [0], [1], [0, 0, 1, 1], [], []>, precision = #tpu.contract_precision<fp32>, transpose_lhs_hint = false} : vector<1x256xf32>, vector<256x128xf32>, vector<1x128xf32> -> vector<1x128xf32>
    %add3A_113 = arith.addf %dot_general3A_107, %dot_general3A_112 : vector<1x128xf32>
    %get3A_114 = arith.constant 0 : index
    %get3A_115 = vector.load %arg18[%get3A_114] : memref<128xf32, #tpu.memory_space<vmem>>, vector<128xf32>
    %broadcast_in_dim3A_116 = vector.shape_cast %get3A_115 : vector<128xf32> to vector<1x128xf32>
    %add3A_117 = arith.addf %add3A_113, %broadcast_in_dim3A_116 : vector<1x128xf32>
    %get3A_118 = arith.constant 0 : index
    %get3A_119 = vector.load %arg19[%get3A_118] : memref<128xf32, #tpu.memory_space<vmem>>, vector<128xf32>
    %broadcast_in_dim3A_120 = vector.shape_cast %get3A_119 : vector<128xf32> to vector<1x128xf32>
    %add3A_121 = arith.addf %add3A_117, %broadcast_in_dim3A_120 : vector<1x128xf32>
    %get3A_122 = arith.constant 0 : index
    %get3A_123 = arith.constant 0 : index
    %get3A_124 = vector.load %arg20[%get3A_122, %get3A_123] : memref<1x128xf32, #tpu.memory_space<vmem>>, vector<1x128xf32>
    %add3A_125 = arith.addf %add3A_121, %get3A_124 : vector<1x128xf32>
    %tanh3A = math.tanh %add3A_125 : vector<1x128xf32>
    %mul3A_126 = arith.mulf %logistic3A_102, %get3A_35 : vector<1x128xf32>
    %mul3A_127 = arith.mulf %logistic3A_68, %tanh3A : vector<1x128xf32>
    %add3A_128 = arith.addf %mul3A_126, %mul3A_127 : vector<1x128xf32>
    %get3A_129 = arith.constant 0 : index
    %get3A_130 = arith.constant 0 : index
    %get3A_131 = vector.load %arg10[%get3A_129, %get3A_130] : memref<256x128xf32, #tpu.memory_space<vmem>>, vector<256x128xf32>
    %dot_general3A_132 = arith.constant dense<0.000000e+00> : vector<1x128xf32>
    %dot_general3A_133 = tpu.matmul %concatenate3A, %get3A_131, %dot_general3A_132 {dimension_numbers = #tpu.dot_dimension_numbers<[1], [0], [0], [1], [0, 0, 1, 1], [], []>, precision = #tpu.contract_precision<fp32>, transpose_lhs_hint = false} : vector<1x256xf32>, vector<256x128xf32>, vector<1x128xf32> -> vector<1x128xf32>
    %get3A_134 = arith.constant 0 : index
    %get3A_135 = arith.constant 0 : index
    %get3A_136 = vector.load %arg11[%get3A_134, %get3A_135] : memref<256x128xf32, #tpu.memory_space<vmem>>, vector<256x128xf32>
    %dot_general3A_137 = arith.constant dense<0.000000e+00> : vector<1x128xf32>
    %dot_general3A_138 = tpu.matmul %concatenate3A_32, %get3A_136, %dot_general3A_137 {dimension_numbers = #tpu.dot_dimension_numbers<[1], [0], [0], [1], [0, 0, 1, 1], [], []>, precision = #tpu.contract_precision<fp32>, transpose_lhs_hint = false} : vector<1x256xf32>, vector<256x128xf32>, vector<1x128xf32> -> vector<1x128xf32>
    %add3A_139 = arith.addf %dot_general3A_133, %dot_general3A_138 : vector<1x128xf32>
    %get3A_140 = arith.constant 0 : index
    %get3A_141 = vector.load %arg21[%get3A_140] : memref<128xf32, #tpu.memory_space<vmem>>, vector<128xf32>
    %broadcast_in_dim3A_142 = vector.shape_cast %get3A_141 : vector<128xf32> to vector<1x128xf32>
    %add3A_143 = arith.addf %add3A_139, %broadcast_in_dim3A_142 : vector<1x128xf32>
    %get3A_144 = arith.constant 0 : index
    %get3A_145 = vector.load %arg22[%get3A_144] : memref<128xf32, #tpu.memory_space<vmem>>, vector<128xf32>
    %broadcast_in_dim3A_146 = vector.shape_cast %get3A_145 : vector<128xf32> to vector<1x128xf32>
    %add3A_147 = arith.addf %add3A_143, %broadcast_in_dim3A_146 : vector<1x128xf32>
    %get3A_148 = arith.constant 0 : index
    %get3A_149 = arith.constant 0 : index
    %get3A_150 = vector.load %arg23[%get3A_148, %get3A_149] : memref<1x128xf32, #tpu.memory_space<vmem>>, vector<1x128xf32>
    %add3A_151 = arith.addf %add3A_147, %get3A_150 : vector<1x128xf32>
    %get3A_152 = arith.constant 0 : index
    %get3A_153 = arith.constant 0 : index
    %get3A_154 = vector.load %arg26[%get3A_152, %get3A_153] : memref<1x128xf32, #tpu.memory_space<vmem>>, vector<1x128xf32>
    %mul3A_155 = arith.mulf %get3A_154, %add3A_128 : vector<1x128xf32>
    %add3A_156 = arith.addf %add3A_151, %mul3A_155 : vector<1x128xf32>
    %logistic3A_157 = arith.negf %add3A_156 : vector<1x128xf32>
    %logistic3A_158 = math.exp %logistic3A_157 : vector<1x128xf32>
    %logistic3A_159 = arith.constant 1.000000e+00 : f32
    %logistic3A_160 = vector.broadcast %logistic3A_159 : f32 to vector<1x128xf32>
    %logistic3A_161 = arith.addf %logistic3A_160, %logistic3A_158 : vector<1x128xf32>
    %logistic3A_162 = arith.divf %logistic3A_160, %logistic3A_161 : vector<1x128xf32>
    %tanh3A_163 = math.tanh %add3A_128 : vector<1x128xf32>
    %mul3A_164 = arith.mulf %logistic3A_162, %tanh3A_163 : vector<1x128xf32>
    %slice3A_165 = vector.extract_strided_slice %get3A_14 {offsets = [0, 127], sizes = [1, 1], strides = [1, 1]} : vector<10000x128xf32> to vector<1x1xf32>
    %get3A_166 = arith.constant 0 : index
    %get3A_167 = arith.constant 0 : index
    %get3A_168 = vector.load %arg27[%get3A_166, %get3A_167] : memref<1x512xf32, #tpu.memory_space<vmem>>, vector<1x512xf32>
    %get3A_169 = arith.constant 0 : index
    %get3A_170 = arith.constant 0 : index
    %get3A_171 = vector.load %arg28[%get3A_169, %get3A_170] : memref<512x128xf32, #tpu.memory_space<vmem>>, vector<512x128xf32>
    %get3A_172 = arith.constant 0 : index
    %get3A_173 = arith.constant 0 : index
    %get3A_174 = vector.load %arg31[%get3A_172, %get3A_173] : memref<128x1xf32, #tpu.memory_space<vmem>>, vector<128x1xf32>
    %get3A_175 = arith.constant 0 : index
    %get3A_176 = vector.load %arg29[%get3A_175] : memref<512xf32, #tpu.memory_space<vmem>>, vector<512xf32>
    %broadcast_in_dim3A_177 = vector.shape_cast %get3A_176 : vector<512xf32> to vector<1x512xf32>
    %get3A_178 = arith.constant 0 : index
    %get3A_179 = vector.load %arg30[%get3A_178] : memref<512xf32, #tpu.memory_space<vmem>>, vector<512xf32>
    %broadcast_in_dim3A_180 = vector.shape_cast %get3A_179 : vector<512xf32> to vector<1x512xf32>
    %add3A_181 = arith.addf %broadcast_in_dim3A_177, %broadcast_in_dim3A_180 : vector<1x512xf32>
    %get3A_182 = arith.constant 0 : index
    %get3A_183 = vector.load %arg32[%get3A_182] : memref<1xf32, #tpu.memory_space<vmem>>, vector<1xf32>
    %broadcast_in_dim3A_184 = vector.shape_cast %get3A_183 : vector<1xf32> to vector<1x1xf32>
    %mul3A_185 = vector.broadcast %slice3A_165 : vector<1x1xf32> to vector<1x512xf32>
    %mul3A_186 = arith.mulf %mul3A_185, %get3A_168 : vector<1x512xf32>
    %dot_general3A_187 = arith.constant dense<0.000000e+00> : vector<1x512xf32>
    %dot_general3A_188 = tpu.matmul %mul3A_164, %get3A_171, %dot_general3A_187 {dimension_numbers = #tpu.dot_dimension_numbers<[1], [1], [0], [0], [0, 0, 1, 0], [], []>, precision = #tpu.contract_precision<fp32>, transpose_lhs_hint = false} : vector<1x128xf32>, vector<512x128xf32>, vector<1x512xf32> -> vector<1x512xf32>
    %add3A_189 = arith.addf %mul3A_186, %dot_general3A_188 : vector<1x512xf32>
    %add3A_190 = arith.addf %add3A_189, %add3A_181 : vector<1x512xf32>
    %slice3A_191 = vector.extract_strided_slice %add3A_190 {offsets = [0, 0], sizes = [1, 128], strides = [1, 1]} : vector<1x512xf32> to vector<1x128xf32>
    %logistic3A_192 = arith.negf %slice3A_191 : vector<1x128xf32>
    %logistic3A_193 = math.exp %logistic3A_192 : vector<1x128xf32>
    %logistic3A_194 = arith.constant 1.000000e+00 : f32
    %logistic3A_195 = vector.broadcast %logistic3A_194 : f32 to vector<1x128xf32>
    %logistic3A_196 = arith.addf %logistic3A_195, %logistic3A_193 : vector<1x128xf32>
    %logistic3A_197 = arith.divf %logistic3A_195, %logistic3A_196 : vector<1x128xf32>
    %slice3A_198 = vector.extract_strided_slice %add3A_190 {offsets = [0, 128], sizes = [1, 128], strides = [1, 1]} : vector<1x512xf32> to vector<1x128xf32>
    %logistic3A_199 = arith.negf %slice3A_198 : vector<1x128xf32>
    %logistic3A_200 = math.exp %logistic3A_199 : vector<1x128xf32>
    %logistic3A_201 = arith.constant 1.000000e+00 : f32
    %logistic3A_202 = vector.broadcast %logistic3A_201 : f32 to vector<1x128xf32>
    %logistic3A_203 = arith.addf %logistic3A_202, %logistic3A_200 : vector<1x128xf32>
    %logistic3A_204 = arith.divf %logistic3A_202, %logistic3A_203 : vector<1x128xf32>
    %slice3A_205 = vector.extract_strided_slice %add3A_190 {offsets = [0, 256], sizes = [1, 128], strides = [1, 1]} : vector<1x512xf32> to vector<1x128xf32>
    %tanh3A_206 = math.tanh %slice3A_205 : vector<1x128xf32>
    %slice3A_207 = vector.extract_strided_slice %add3A_190 {offsets = [0, 384], sizes = [1, 128], strides = [1, 1]} : vector<1x512xf32> to vector<1x128xf32>
    %logistic3A_208 = arith.negf %slice3A_207 : vector<1x128xf32>
    %logistic3A_209 = math.exp %logistic3A_208 : vector<1x128xf32>
    %logistic3A_210 = arith.constant 1.000000e+00 : f32
    %logistic3A_211 = vector.broadcast %logistic3A_210 : f32 to vector<1x128xf32>
    %logistic3A_212 = arith.addf %logistic3A_211, %logistic3A_209 : vector<1x128xf32>
    %logistic3A_213 = arith.divf %logistic3A_211, %logistic3A_212 : vector<1x128xf32>
    %mul3A_214 = arith.mulf %logistic3A_204, %add3A_128 : vector<1x128xf32>
    %mul3A_215 = arith.mulf %logistic3A_197, %tanh3A_206 : vector<1x128xf32>
    %add3A_216 = arith.addf %mul3A_214, %mul3A_215 : vector<1x128xf32>
    %tanh3A_217 = math.tanh %add3A_216 : vector<1x128xf32>
    %mul3A_218 = arith.mulf %logistic3A_213, %tanh3A_217 : vector<1x128xf32>
    %dot_general3A_219 = arith.constant dense<0.000000e+00> : vector<1x1xf32>
    %dot_general3A_220 = tpu.matmul %mul3A_218, %get3A_174, %dot_general3A_219 {dimension_numbers = #tpu.dot_dimension_numbers<[1], [0], [0], [1], [0, 0, 1, 1], [], []>, precision = #tpu.contract_precision<fp32>, transpose_lhs_hint = false} : vector<1x128xf32>, vector<128x1xf32>, vector<1x1xf32> -> vector<1x1xf32>
    %add3A_221 = arith.addf %dot_general3A_220, %broadcast_in_dim3A_184 : vector<1x1xf32>
    %mul3A_222 = vector.broadcast %add3A_221 : vector<1x1xf32> to vector<1x512xf32>
    %mul3A_223 = arith.mulf %mul3A_222, %get3A_168 : vector<1x512xf32>
    %dot_general3A_224 = arith.constant dense<0.000000e+00> : vector<1x512xf32>
    %dot_general3A_225 = tpu.matmul %mul3A_218, %get3A_171, %dot_general3A_224 {dimension_numbers = #tpu.dot_dimension_numbers<[1], [1], [0], [0], [0, 0, 1, 0], [], []>, precision = #tpu.contract_precision<fp32>, transpose_lhs_hint = false} : vector<1x128xf32>, vector<512x128xf32>, vector<1x512xf32> -> vector<1x512xf32>
    %add3A_226 = arith.addf %mul3A_223, %dot_general3A_225 : vector<1x512xf32>
    %add3A_227 = arith.addf %add3A_226, %add3A_181 : vector<1x512xf32>
    %slice3A_228 = vector.extract_strided_slice %add3A_227 {offsets = [0, 0], sizes = [1, 128], strides = [1, 1]} : vector<1x512xf32> to vector<1x128xf32>
    %logistic3A_229 = arith.negf %slice3A_228 : vector<1x128xf32>
    %logistic3A_230 = math.exp %logistic3A_229 : vector<1x128xf32>
    %logistic3A_231 = arith.constant 1.000000e+00 : f32
    %logistic3A_232 = vector.broadcast %logistic3A_231 : f32 to vector<1x128xf32>
    %logistic3A_233 = arith.addf %logistic3A_232, %logistic3A_230 : vector<1x128xf32>
    %logistic3A_234 = arith.divf %logistic3A_232, %logistic3A_233 : vector<1x128xf32>
    %slice3A_235 = vector.extract_strided_slice %add3A_227 {offsets = [0, 128], sizes = [1, 128], strides = [1, 1]} : vector<1x512xf32> to vector<1x128xf32>
    %logistic3A_236 = arith.negf %slice3A_235 : vector<1x128xf32>
    %logistic3A_237 = math.exp %logistic3A_236 : vector<1x128xf32>
    %logistic3A_238 = arith.constant 1.000000e+00 : f32
    %logistic3A_239 = vector.broadcast %logistic3A_238 : f32 to vector<1x128xf32>
    %logistic3A_240 = arith.addf %logistic3A_239, %logistic3A_237 : vector<1x128xf32>
    %logistic3A_241 = arith.divf %logistic3A_239, %logistic3A_240 : vector<1x128xf32>
    %slice3A_242 = vector.extract_strided_slice %add3A_227 {offsets = [0, 256], sizes = [1, 128], strides = [1, 1]} : vector<1x512xf32> to vector<1x128xf32>
    %tanh3A_243 = math.tanh %slice3A_242 : vector<1x128xf32>
    %slice3A_244 = vector.extract_strided_slice %add3A_227 {offsets = [0, 384], sizes = [1, 128], strides = [1, 1]} : vector<1x512xf32> to vector<1x128xf32>
    %logistic3A_245 = arith.negf %slice3A_244 : vector<1x128xf32>
    %logistic3A_246 = math.exp %logistic3A_245 : vector<1x128xf32>
    %logistic3A_247 = arith.constant 1.000000e+00 : f32
    %logistic3A_248 = vector.broadcast %logistic3A_247 : f32 to vector<1x128xf32>
    %logistic3A_249 = arith.addf %logistic3A_248, %logistic3A_246 : vector<1x128xf32>
    %logistic3A_250 = arith.divf %logistic3A_248, %logistic3A_249 : vector<1x128xf32>
    %mul3A_251 = arith.mulf %logistic3A_241, %add3A_216 : vector<1x128xf32>
    %mul3A_252 = arith.mulf %logistic3A_234, %tanh3A_243 : vector<1x128xf32>
    %add3A_253 = arith.addf %mul3A_251, %mul3A_252 : vector<1x128xf32>
    %tanh3A_254 = math.tanh %add3A_253 : vector<1x128xf32>
    %mul3A_255 = arith.mulf %logistic3A_250, %tanh3A_254 : vector<1x128xf32>
    %dot_general3A_256 = arith.constant dense<0.000000e+00> : vector<1x1xf32>
    %dot_general3A_257 = tpu.matmul %mul3A_255, %get3A_174, %dot_general3A_256 {dimension_numbers = #tpu.dot_dimension_numbers<[1], [0], [0], [1], [0, 0, 1, 1], [], []>, precision = #tpu.contract_precision<fp32>, transpose_lhs_hint = false} : vector<1x128xf32>, vector<128x1xf32>, vector<1x1xf32> -> vector<1x1xf32>
    %add3A_258 = arith.addf %dot_general3A_257, %broadcast_in_dim3A_184 : vector<1x1xf32>
    %mul3A_259 = vector.broadcast %add3A_258 : vector<1x1xf32> to vector<1x512xf32>
    %mul3A_260 = arith.mulf %mul3A_259, %get3A_168 : vector<1x512xf32>
    %dot_general3A_261 = arith.constant dense<0.000000e+00> : vector<1x512xf32>
    %dot_general3A_262 = tpu.matmul %mul3A_255, %get3A_171, %dot_general3A_261 {dimension_numbers = #tpu.dot_dimension_numbers<[1], [1], [0], [0], [0, 0, 1, 0], [], []>, precision = #tpu.contract_precision<fp32>, transpose_lhs_hint = false} : vector<1x128xf32>, vector<512x128xf32>, vector<1x512xf32> -> vector<1x512xf32>
    %add3A_263 = arith.addf %mul3A_260, %dot_general3A_262 : vector<1x512xf32>
    %add3A_264 = arith.addf %add3A_263, %add3A_181 : vector<1x512xf32>
    %slice3A_265 = vector.extract_strided_slice %add3A_264 {offsets = [0, 0], sizes = [1, 128], strides = [1, 1]} : vector<1x512xf32> to vector<1x128xf32>
    %logistic3A_266 = arith.negf %slice3A_265 : vector<1x128xf32>
    %logistic3A_267 = math.exp %logistic3A_266 : vector<1x128xf32>
    %logistic3A_268 = arith.constant 1.000000e+00 : f32
    %logistic3A_269 = vector.broadcast %logistic3A_268 : f32 to vector<1x128xf32>
    %logistic3A_270 = arith.addf %logistic3A_269, %logistic3A_267 : vector<1x128xf32>
    %logistic3A_271 = arith.divf %logistic3A_269, %logistic3A_270 : vector<1x128xf32>
    %slice3A_272 = vector.extract_strided_slice %add3A_264 {offsets = [0, 128], sizes = [1, 128], strides = [1, 1]} : vector<1x512xf32> to vector<1x128xf32>
    %logistic3A_273 = arith.negf %slice3A_272 : vector<1x128xf32>
    %logistic3A_274 = math.exp %logistic3A_273 : vector<1x128xf32>
    %logistic3A_275 = arith.constant 1.000000e+00 : f32
    %logistic3A_276 = vector.broadcast %logistic3A_275 : f32 to vector<1x128xf32>
    %logistic3A_277 = arith.addf %logistic3A_276, %logistic3A_274 : vector<1x128xf32>
    %logistic3A_278 = arith.divf %logistic3A_276, %logistic3A_277 : vector<1x128xf32>
    %slice3A_279 = vector.extract_strided_slice %add3A_264 {offsets = [0, 256], sizes = [1, 128], strides = [1, 1]} : vector<1x512xf32> to vector<1x128xf32>
    %tanh3A_280 = math.tanh %slice3A_279 : vector<1x128xf32>
    %slice3A_281 = vector.extract_strided_slice %add3A_264 {offsets = [0, 384], sizes = [1, 128], strides = [1, 1]} : vector<1x512xf32> to vector<1x128xf32>
    %logistic3A_282 = arith.negf %slice3A_281 : vector<1x128xf32>
    %logistic3A_283 = math.exp %logistic3A_282 : vector<1x128xf32>
    %logistic3A_284 = arith.constant 1.000000e+00 : f32
    %logistic3A_285 = vector.broadcast %logistic3A_284 : f32 to vector<1x128xf32>
    %logistic3A_286 = arith.addf %logistic3A_285, %logistic3A_283 : vector<1x128xf32>
    %logistic3A_287 = arith.divf %logistic3A_285, %logistic3A_286 : vector<1x128xf32>
    %mul3A_288 = arith.mulf %logistic3A_278, %add3A_253 : vector<1x128xf32>
    %mul3A_289 = arith.mulf %logistic3A_271, %tanh3A_280 : vector<1x128xf32>
    %add3A_290 = arith.addf %mul3A_288, %mul3A_289 : vector<1x128xf32>
    %tanh3A_291 = math.tanh %add3A_290 : vector<1x128xf32>
    %mul3A_292 = arith.mulf %logistic3A_287, %tanh3A_291 : vector<1x128xf32>
    %dot_general3A_293 = arith.constant dense<0.000000e+00> : vector<1x1xf32>
    %dot_general3A_294 = tpu.matmul %mul3A_292, %get3A_174, %dot_general3A_293 {dimension_numbers = #tpu.dot_dimension_numbers<[1], [0], [0], [1], [0, 0, 1, 1], [], []>, precision = #tpu.contract_precision<fp32>, transpose_lhs_hint = false} : vector<1x128xf32>, vector<128x1xf32>, vector<1x1xf32> -> vector<1x1xf32>
    %add3A_295 = arith.addf %dot_general3A_294, %broadcast_in_dim3A_184 : vector<1x1xf32>
    %mul3A_296 = vector.broadcast %add3A_295 : vector<1x1xf32> to vector<1x512xf32>
    %mul3A_297 = arith.mulf %mul3A_296, %get3A_168 : vector<1x512xf32>
    %dot_general3A_298 = arith.constant dense<0.000000e+00> : vector<1x512xf32>
    %dot_general3A_299 = tpu.matmul %mul3A_292, %get3A_171, %dot_general3A_298 {dimension_numbers = #tpu.dot_dimension_numbers<[1], [1], [0], [0], [0, 0, 1, 0], [], []>, precision = #tpu.contract_precision<fp32>, transpose_lhs_hint = false} : vector<1x128xf32>, vector<512x128xf32>, vector<1x512xf32> -> vector<1x512xf32>
    %add3A_300 = arith.addf %mul3A_297, %dot_general3A_299 : vector<1x512xf32>
    %add3A_301 = arith.addf %add3A_300, %add3A_181 : vector<1x512xf32>
    %slice3A_302 = vector.extract_strided_slice %add3A_301 {offsets = [0, 0], sizes = [1, 128], strides = [1, 1]} : vector<1x512xf32> to vector<1x128xf32>
    %logistic3A_303 = arith.negf %slice3A_302 : vector<1x128xf32>
    %logistic3A_304 = math.exp %logistic3A_303 : vector<1x128xf32>
    %logistic3A_305 = arith.constant 1.000000e+00 : f32
    %logistic3A_306 = vector.broadcast %logistic3A_305 : f32 to vector<1x128xf32>
    %logistic3A_307 = arith.addf %logistic3A_306, %logistic3A_304 : vector<1x128xf32>
    %logistic3A_308 = arith.divf %logistic3A_306, %logistic3A_307 : vector<1x128xf32>
    %slice3A_309 = vector.extract_strided_slice %add3A_301 {offsets = [0, 128], sizes = [1, 128], strides = [1, 1]} : vector<1x512xf32> to vector<1x128xf32>
    %logistic3A_310 = arith.negf %slice3A_309 : vector<1x128xf32>
    %logistic3A_311 = math.exp %logistic3A_310 : vector<1x128xf32>
    %logistic3A_312 = arith.constant 1.000000e+00 : f32
    %logistic3A_313 = vector.broadcast %logistic3A_312 : f32 to vector<1x128xf32>
    %logistic3A_314 = arith.addf %logistic3A_313, %logistic3A_311 : vector<1x128xf32>
    %logistic3A_315 = arith.divf %logistic3A_313, %logistic3A_314 : vector<1x128xf32>
    %slice3A_316 = vector.extract_strided_slice %add3A_301 {offsets = [0, 256], sizes = [1, 128], strides = [1, 1]} : vector<1x512xf32> to vector<1x128xf32>
    %tanh3A_317 = math.tanh %slice3A_316 : vector<1x128xf32>
    %slice3A_318 = vector.extract_strided_slice %add3A_301 {offsets = [0, 384], sizes = [1, 128], strides = [1, 1]} : vector<1x512xf32> to vector<1x128xf32>
    %logistic3A_319 = arith.negf %slice3A_318 : vector<1x128xf32>
    %logistic3A_320 = math.exp %logistic3A_319 : vector<1x128xf32>
    %logistic3A_321 = arith.constant 1.000000e+00 : f32
    %logistic3A_322 = vector.broadcast %logistic3A_321 : f32 to vector<1x128xf32>
    %logistic3A_323 = arith.addf %logistic3A_322, %logistic3A_320 : vector<1x128xf32>
    %logistic3A_324 = arith.divf %logistic3A_322, %logistic3A_323 : vector<1x128xf32>
    %mul3A_325 = arith.mulf %logistic3A_315, %add3A_290 : vector<1x128xf32>
    %mul3A_326 = arith.mulf %logistic3A_308, %tanh3A_317 : vector<1x128xf32>
    %add3A_327 = arith.addf %mul3A_325, %mul3A_326 : vector<1x128xf32>
    %tanh3A_328 = math.tanh %add3A_327 : vector<1x128xf32>
    %mul3A_329 = arith.mulf %logistic3A_324, %tanh3A_328 : vector<1x128xf32>
    %dot_general3A_330 = arith.constant dense<0.000000e+00> : vector<1x1xf32>
    %dot_general3A_331 = tpu.matmul %mul3A_329, %get3A_174, %dot_general3A_330 {dimension_numbers = #tpu.dot_dimension_numbers<[1], [0], [0], [1], [0, 0, 1, 1], [], []>, precision = #tpu.contract_precision<fp32>, transpose_lhs_hint = false} : vector<1x128xf32>, vector<128x1xf32>, vector<1x1xf32> -> vector<1x1xf32>
    %add3A_332 = arith.addf %dot_general3A_331, %broadcast_in_dim3A_184 : vector<1x1xf32>
    %mul3A_333 = vector.broadcast %add3A_332 : vector<1x1xf32> to vector<1x512xf32>
    %mul3A_334 = arith.mulf %mul3A_333, %get3A_168 : vector<1x512xf32>
    %dot_general3A_335 = arith.constant dense<0.000000e+00> : vector<1x512xf32>
    %dot_general3A_336 = tpu.matmul %mul3A_329, %get3A_171, %dot_general3A_335 {dimension_numbers = #tpu.dot_dimension_numbers<[1], [1], [0], [0], [0, 0, 1, 0], [], []>, precision = #tpu.contract_precision<fp32>, transpose_lhs_hint = false} : vector<1x128xf32>, vector<512x128xf32>, vector<1x512xf32> -> vector<1x512xf32>
    %add3A_337 = arith.addf %mul3A_334, %dot_general3A_336 : vector<1x512xf32>
    %add3A_338 = arith.addf %add3A_337, %add3A_181 : vector<1x512xf32>
    %slice3A_339 = vector.extract_strided_slice %add3A_338 {offsets = [0, 0], sizes = [1, 128], strides = [1, 1]} : vector<1x512xf32> to vector<1x128xf32>
    %logistic3A_340 = arith.negf %slice3A_339 : vector<1x128xf32>
    %logistic3A_341 = math.exp %logistic3A_340 : vector<1x128xf32>
    %logistic3A_342 = arith.constant 1.000000e+00 : f32
    %logistic3A_343 = vector.broadcast %logistic3A_342 : f32 to vector<1x128xf32>
    %logistic3A_344 = arith.addf %logistic3A_343, %logistic3A_341 : vector<1x128xf32>
    %logistic3A_345 = arith.divf %logistic3A_343, %logistic3A_344 : vector<1x128xf32>
    %slice3A_346 = vector.extract_strided_slice %add3A_338 {offsets = [0, 128], sizes = [1, 128], strides = [1, 1]} : vector<1x512xf32> to vector<1x128xf32>
    %logistic3A_347 = arith.negf %slice3A_346 : vector<1x128xf32>
    %logistic3A_348 = math.exp %logistic3A_347 : vector<1x128xf32>
    %logistic3A_349 = arith.constant 1.000000e+00 : f32
    %logistic3A_350 = vector.broadcast %logistic3A_349 : f32 to vector<1x128xf32>
    %logistic3A_351 = arith.addf %logistic3A_350, %logistic3A_348 : vector<1x128xf32>
    %logistic3A_352 = arith.divf %logistic3A_350, %logistic3A_351 : vector<1x128xf32>
    %slice3A_353 = vector.extract_strided_slice %add3A_338 {offsets = [0, 256], sizes = [1, 128], strides = [1, 1]} : vector<1x512xf32> to vector<1x128xf32>
    %tanh3A_354 = math.tanh %slice3A_353 : vector<1x128xf32>
    %slice3A_355 = vector.extract_strided_slice %add3A_338 {offsets = [0, 384], sizes = [1, 128], strides = [1, 1]} : vector<1x512xf32> to vector<1x128xf32>
    %logistic3A_356 = arith.negf %slice3A_355 : vector<1x128xf32>
    %logistic3A_357 = math.exp %logistic3A_356 : vector<1x128xf32>
    %logistic3A_358 = arith.constant 1.000000e+00 : f32
    %logistic3A_359 = vector.broadcast %logistic3A_358 : f32 to vector<1x128xf32>
    %logistic3A_360 = arith.addf %logistic3A_359, %logistic3A_357 : vector<1x128xf32>
    %logistic3A_361 = arith.divf %logistic3A_359, %logistic3A_360 : vector<1x128xf32>
    %mul3A_362 = arith.mulf %logistic3A_352, %add3A_327 : vector<1x128xf32>
    %mul3A_363 = arith.mulf %logistic3A_345, %tanh3A_354 : vector<1x128xf32>
    %add3A_364 = arith.addf %mul3A_362, %mul3A_363 : vector<1x128xf32>
    %tanh3A_365 = math.tanh %add3A_364 : vector<1x128xf32>
    %mul3A_366 = arith.mulf %logistic3A_361, %tanh3A_365 : vector<1x128xf32>
    %dot_general3A_367 = arith.constant dense<0.000000e+00> : vector<1x1xf32>
    %dot_general3A_368 = tpu.matmul %mul3A_366, %get3A_174, %dot_general3A_367 {dimension_numbers = #tpu.dot_dimension_numbers<[1], [0], [0], [1], [0, 0, 1, 1], [], []>, precision = #tpu.contract_precision<fp32>, transpose_lhs_hint = false} : vector<1x128xf32>, vector<128x1xf32>, vector<1x1xf32> -> vector<1x1xf32>
    %add3A_369 = arith.addf %dot_general3A_368, %broadcast_in_dim3A_184 : vector<1x1xf32>
    %mul3A_370 = vector.broadcast %add3A_369 : vector<1x1xf32> to vector<1x512xf32>
    %mul3A_371 = arith.mulf %mul3A_370, %get3A_168 : vector<1x512xf32>
    %dot_general3A_372 = arith.constant dense<0.000000e+00> : vector<1x512xf32>
    %dot_general3A_373 = tpu.matmul %mul3A_366, %get3A_171, %dot_general3A_372 {dimension_numbers = #tpu.dot_dimension_numbers<[1], [1], [0], [0], [0, 0, 1, 0], [], []>, precision = #tpu.contract_precision<fp32>, transpose_lhs_hint = false} : vector<1x128xf32>, vector<512x128xf32>, vector<1x512xf32> -> vector<1x512xf32>
    %add3A_374 = arith.addf %mul3A_371, %dot_general3A_373 : vector<1x512xf32>
    %add3A_375 = arith.addf %add3A_374, %add3A_181 : vector<1x512xf32>
    %slice3A_376 = vector.extract_strided_slice %add3A_375 {offsets = [0, 0], sizes = [1, 128], strides = [1, 1]} : vector<1x512xf32> to vector<1x128xf32>
    %logistic3A_377 = arith.negf %slice3A_376 : vector<1x128xf32>
    %logistic3A_378 = math.exp %logistic3A_377 : vector<1x128xf32>
    %logistic3A_379 = arith.constant 1.000000e+00 : f32
    %logistic3A_380 = vector.broadcast %logistic3A_379 : f32 to vector<1x128xf32>
    %logistic3A_381 = arith.addf %logistic3A_380, %logistic3A_378 : vector<1x128xf32>
    %logistic3A_382 = arith.divf %logistic3A_380, %logistic3A_381 : vector<1x128xf32>
    %slice3A_383 = vector.extract_strided_slice %add3A_375 {offsets = [0, 128], sizes = [1, 128], strides = [1, 1]} : vector<1x512xf32> to vector<1x128xf32>
    %logistic3A_384 = arith.negf %slice3A_383 : vector<1x128xf32>
    %logistic3A_385 = math.exp %logistic3A_384 : vector<1x128xf32>
    %logistic3A_386 = arith.constant 1.000000e+00 : f32
    %logistic3A_387 = vector.broadcast %logistic3A_386 : f32 to vector<1x128xf32>
    %logistic3A_388 = arith.addf %logistic3A_387, %logistic3A_385 : vector<1x128xf32>
    %logistic3A_389 = arith.divf %logistic3A_387, %logistic3A_388 : vector<1x128xf32>
    %slice3A_390 = vector.extract_strided_slice %add3A_375 {offsets = [0, 256], sizes = [1, 128], strides = [1, 1]} : vector<1x512xf32> to vector<1x128xf32>
    %tanh3A_391 = math.tanh %slice3A_390 : vector<1x128xf32>
    %slice3A_392 = vector.extract_strided_slice %add3A_375 {offsets = [0, 384], sizes = [1, 128], strides = [1, 1]} : vector<1x512xf32> to vector<1x128xf32>
    %logistic3A_393 = arith.negf %slice3A_392 : vector<1x128xf32>
    %logistic3A_394 = math.exp %logistic3A_393 : vector<1x128xf32>
    %logistic3A_395 = arith.constant 1.000000e+00 : f32
    %logistic3A_396 = vector.broadcast %logistic3A_395 : f32 to vector<1x128xf32>
    %logistic3A_397 = arith.addf %logistic3A_396, %logistic3A_394 : vector<1x128xf32>
    %logistic3A_398 = arith.divf %logistic3A_396, %logistic3A_397 : vector<1x128xf32>
    %mul3A_399 = arith.mulf %logistic3A_389, %add3A_364 : vector<1x128xf32>
    %mul3A_400 = arith.mulf %logistic3A_382, %tanh3A_391 : vector<1x128xf32>
    %add3A_401 = arith.addf %mul3A_399, %mul3A_400 : vector<1x128xf32>
    %tanh3A_402 = math.tanh %add3A_401 : vector<1x128xf32>
    %mul3A_403 = arith.mulf %logistic3A_398, %tanh3A_402 : vector<1x128xf32>
    %dot_general3A_404 = arith.constant dense<0.000000e+00> : vector<1x1xf32>
    %dot_general3A_405 = tpu.matmul %mul3A_403, %get3A_174, %dot_general3A_404 {dimension_numbers = #tpu.dot_dimension_numbers<[1], [0], [0], [1], [0, 0, 1, 1], [], []>, precision = #tpu.contract_precision<fp32>, transpose_lhs_hint = false} : vector<1x128xf32>, vector<128x1xf32>, vector<1x1xf32> -> vector<1x1xf32>
    %add3A_406 = arith.addf %dot_general3A_405, %broadcast_in_dim3A_184 : vector<1x1xf32>
    %mul3A_407 = vector.broadcast %add3A_406 : vector<1x1xf32> to vector<1x512xf32>
    %mul3A_408 = arith.mulf %mul3A_407, %get3A_168 : vector<1x512xf32>
    %dot_general3A_409 = arith.constant dense<0.000000e+00> : vector<1x512xf32>
    %dot_general3A_410 = tpu.matmul %mul3A_403, %get3A_171, %dot_general3A_409 {dimension_numbers = #tpu.dot_dimension_numbers<[1], [1], [0], [0], [0, 0, 1, 0], [], []>, precision = #tpu.contract_precision<fp32>, transpose_lhs_hint = false} : vector<1x128xf32>, vector<512x128xf32>, vector<1x512xf32> -> vector<1x512xf32>
    %add3A_411 = arith.addf %mul3A_408, %dot_general3A_410 : vector<1x512xf32>
    %add3A_412 = arith.addf %add3A_411, %add3A_181 : vector<1x512xf32>
    %slice3A_413 = vector.extract_strided_slice %add3A_412 {offsets = [0, 0], sizes = [1, 128], strides = [1, 1]} : vector<1x512xf32> to vector<1x128xf32>
    %logistic3A_414 = arith.negf %slice3A_413 : vector<1x128xf32>
    %logistic3A_415 = math.exp %logistic3A_414 : vector<1x128xf32>
    %logistic3A_416 = arith.constant 1.000000e+00 : f32
    %logistic3A_417 = vector.broadcast %logistic3A_416 : f32 to vector<1x128xf32>
    %logistic3A_418 = arith.addf %logistic3A_417, %logistic3A_415 : vector<1x128xf32>
    %logistic3A_419 = arith.divf %logistic3A_417, %logistic3A_418 : vector<1x128xf32>
    %slice3A_420 = vector.extract_strided_slice %add3A_412 {offsets = [0, 128], sizes = [1, 128], strides = [1, 1]} : vector<1x512xf32> to vector<1x128xf32>
    %logistic3A_421 = arith.negf %slice3A_420 : vector<1x128xf32>
    %logistic3A_422 = math.exp %logistic3A_421 : vector<1x128xf32>
    %logistic3A_423 = arith.constant 1.000000e+00 : f32
    %logistic3A_424 = vector.broadcast %logistic3A_423 : f32 to vector<1x128xf32>
    %logistic3A_425 = arith.addf %logistic3A_424, %logistic3A_422 : vector<1x128xf32>
    %logistic3A_426 = arith.divf %logistic3A_424, %logistic3A_425 : vector<1x128xf32>
    %slice3A_427 = vector.extract_strided_slice %add3A_412 {offsets = [0, 256], sizes = [1, 128], strides = [1, 1]} : vector<1x512xf32> to vector<1x128xf32>
    %tanh3A_428 = math.tanh %slice3A_427 : vector<1x128xf32>
    %slice3A_429 = vector.extract_strided_slice %add3A_412 {offsets = [0, 384], sizes = [1, 128], strides = [1, 1]} : vector<1x512xf32> to vector<1x128xf32>
    %logistic3A_430 = arith.negf %slice3A_429 : vector<1x128xf32>
    %logistic3A_431 = math.exp %logistic3A_430 : vector<1x128xf32>
    %logistic3A_432 = arith.constant 1.000000e+00 : f32
    %logistic3A_433 = vector.broadcast %logistic3A_432 : f32 to vector<1x128xf32>
    %logistic3A_434 = arith.addf %logistic3A_433, %logistic3A_431 : vector<1x128xf32>
    %logistic3A_435 = arith.divf %logistic3A_433, %logistic3A_434 : vector<1x128xf32>
    %mul3A_436 = arith.mulf %logistic3A_426, %add3A_401 : vector<1x128xf32>
    %mul3A_437 = arith.mulf %logistic3A_419, %tanh3A_428 : vector<1x128xf32>
    %add3A_438 = arith.addf %mul3A_436, %mul3A_437 : vector<1x128xf32>
    %tanh3A_439 = math.tanh %add3A_438 : vector<1x128xf32>
    %mul3A_440 = arith.mulf %logistic3A_435, %tanh3A_439 : vector<1x128xf32>
    %dot_general3A_441 = arith.constant dense<0.000000e+00> : vector<1x1xf32>
    %dot_general3A_442 = tpu.matmul %mul3A_440, %get3A_174, %dot_general3A_441 {dimension_numbers = #tpu.dot_dimension_numbers<[1], [0], [0], [1], [0, 0, 1, 1], [], []>, precision = #tpu.contract_precision<fp32>, transpose_lhs_hint = false} : vector<1x128xf32>, vector<128x1xf32>, vector<1x1xf32> -> vector<1x1xf32>
    %add3A_443 = arith.addf %dot_general3A_442, %broadcast_in_dim3A_184 : vector<1x1xf32>
    %concatenate3A_444 = tpu.concatenate %add3A_221, %add3A_258, %add3A_295, %add3A_332, %add3A_369, %add3A_406, %add3A_443 in 0 : vector<1x1xf32>, vector<1x1xf32>, vector<1x1xf32>, vector<1x1xf32>, vector<1x1xf32>, vector<1x1xf32>, vector<1x1xf32> -> vector<7x1xf32>
    %swap3A = arith.constant 0 : index
    %swap3A_445 = arith.constant 0 : index
    %swap3A_446 = vector.load %arg33[%swap3A, %swap3A_445] : memref<7x1xf32, #tpu.memory_space<vmem>>, vector<7x1xf32>
    tpu.vector_store %arg33[%swap3A, %swap3A_445], %concatenate3A_444 {strides = array<i32>} : memref<7x1xf32, #tpu.memory_space<vmem>>, vector<7x1xf32>,
    return
  }
}

</mosaic_0001>

<sc_bundles>
// kernel: kernel.4.cloned.1.call-start
scs
__scs_entry_jumppad:
0x0: {  	(pc) =	sbr.rel $0x88, $3  }
0x1: {  	(tag) =	ssettag $0x0;
	lr =	simm.s32 $0x1  }
0x2: {  	[smem:$0x3F7F] =	sst lr;
	_ =	strace $0xD0000000  }
0x3: {  	_ = 	snop  }
0x4: {  	_ = 	snop  }
0x5: {  	_ = 	snop  }
0x6: {  	_ = 	snop  }
0x7: {  	_ = 	snop  }
__scs_overlays_trampoline_lowered:
0x8: {  	[smem:$0x3F8E] =	sst s0  }
0x9: {  	[smem:$0x3F8F] =	sst s1  }
0xa: {  	[smem:$0x3F90] =	sst s2  }
0xb: {  	[smem:$0x3F91] =	sst s3  }
0xc: {  	[smem:$0x3F92] =	sst s4  }
0xd: {  	[smem:$0x3F93] =	sst s5  }
0xe: {  	[smem:$0x3F94] =	sst s6  }
0xf: {  	[smem:$0x3F95] =	sst s7  }
0x10: {  	[smem:$0x3F96] =	sst s8  }
0x11: {  	[smem:$0x3F97] =	sst s9;
	s0 =	simm.s32 @!p0 $0x0  }
0x12: {  	s1 =	sld [smem:$0x3F7D];
	s0 =	simm.s32 @p0 $0x1  }
0x13: {  	[smem:$0x3F98] =	sst s0;
	s0 =	simm.s32 @!p1 $0x0  }
0x14: {  	s2 =	sld [smem:$0x3F7C];
	s0 =	simm.s32 @p1 $0x1  }
0x15: {  	[smem:$0x3F99] =	sst s0;
	s0 =	simm.s32 @!p2 $0x0  }
0x16: {  	s3 =	sld [smem:$0x3FDB];
	s0 =	simm.s32 @p2 $0x1  }
0x17: {  	s4 =	simm.s32 $0x1BF5;
	[smem:$0x3F9B] =	sst s0  }
0x18: {  	s0 =	sld [smem:$0x3F7E];
	_ =	swait.ge [sflag:s4], $0x0  }
0x19: {  	s7 =	sld [smem:$0x3F7F]  }
0x1a: {  	s8 =	sadd.s32 $0xFFFFE003, lr  }
0x1b: {  	s9 =	sadd.s32 $0xFFFFFEF7, lr;
	s5 =	simm.s32 $0xFFFFFFFF;
	p2 =	slt.u32 s8, $0xFFFFF086  }
0x1c: {  	p1 =	slt.u32 s9, $0xF7A;
	s5 =	simm.s32 @!p2 $0x0  }
0x1d: {  	s5 =	simm.s32 @p1 $0x1;
	p0 =	seq.s32 s7, s2  }
0x1e: {  	s7 =	smul.u32 @!p0 $0xF7A, s2;
	p2 =	seq.s32 @!p0 s5, $0x0  }
0x1f: {  	s9 =	smul.u32 $0xF7A, s1;
	s8 =	simm.s32 @!p0 $0x1BF5;
	p2 =	por !p2, p0  }
0x20: {  	[sflag:s8] =	ssyncset.s32 @!p0 $0xFFFFF086;
	s6 =	sadd.s32 @!p0 s3, s7;
	s7 =	simm.s32 @!p0 $0x108  }
0x21: {  	s3 =	sadd.s32 s3, s9;
	s6 =	sadd.s32 @!p0 $0x88, s6;
	s7 =	simm.s32 @p2 $0x1082  }
0x22: {  	[simem:s7], [sflag:s8] =	dma.local @!p0 [hbm:s6], $0xF7A  }
0x23: {  	s9 =	sor.u32 $0xD0000000, s2;
	s6 =	simm.s32 $0x108;
	_ =	swait.ge @!p0 [sflag:s8], $0x0  }
0x24: {  	s3 =	sadd.s32 $0x88, s3;
	s6 =	simm.s32 @!p1 $0x1082;
	[sflag:s4] =	ssyncset.s32 $0xFFFFF086  }
0x25: {  	[simem:s6], [sflag:s4] =	dma.local [hbm:s3], $0xF7A  }
0x26: {  	[smem:$0x3F7F] =	sst s1;
	(tag) =	ssettag s2;
	_ =	strace s9  }
0x27: {  	s1 =	sld [smem:$0x3F8F]  }
0x28: {  	s2 =	sld [smem:$0x3F90]  }
0x29: {  	s4 =	sld [smem:$0x3F92]  }
0x2a: {  	p0 =	seq.s32 s5, $0x0;
	s5 =	sld [smem:$0x3F93]  }
0x2b: {  	s6 =	sld [smem:$0x3F94]  }
0x2c: {  	s7 =	sld [smem:$0x3F95]  }
0x2d: {  	s3 =	simm.s32 $0x108;
	s8 =	sld [smem:$0x3F96]  }
0x2e: {  	s3 =	simm.s32 @!p0 $0x1082;
	s9 =	sld [smem:$0x3F97]  }
0x2f: {  	lr =	sadd.s32 s0, s3;
	s0 =	sld [smem:$0x3F8E]  }
0x30: {  	s3 =	sld [smem:$0x3F91]  }
0x31: {  	[smem:$0x3F9A] =	sst s10  }
0x32: {  	s10 =	sld [smem:$0x3F98];
	_ =	sdelay $0x3  }
0x33: {  	p0 =	seq.s32 s10, $0x1;
	s10 =	sld [smem:$0x3F9A];
	_ =	sdelay $0x3  }
0x34: {  	[smem:$0x3F9A] =	sst s10  }
0x35: {  	s10 =	sld [smem:$0x3F99];
	_ =	sdelay $0x3  }
0x36: {  	p1 =	seq.s32 s10, $0x1;
	s10 =	sld [smem:$0x3F9A];
	_ =	sdelay $0x3  }
0x37: {  	[smem:$0x3F9A] =	sst s10  }
0x38: {  	s10 =	sld [smem:$0x3F9B]  }
0x39: {  	_ = 	snop;
	(pc) =	sbr.ind lr, $3  }
0x3a: {  	_ = 	snop  }
0x3b: {  	_ = 	snop  }
0x3c: {  	p2 =	seq.s32 s10, $0x1;
	s10 =	sld [smem:$0x3F9A]  }
0x3d: {  	_ =	shalt  }
0x3e: {  	_ =	shalt  }
0x3f: {  	_ =	shalt  }
0x40: {  	_ =	shalt  }
0x41: {  	_ =	shalt  }
0x42: {  	_ =	shalt  }
0x43: {  	_ =	shalt  }
0x44: {  	_ =	shalt  }
0x45: {  	_ =	shalt  }
0x46: {  	_ =	shalt  }
0x47: {  	_ =	shalt  }
0x48: {  	_ =	shalt  }
0x49: {  	_ =	shalt  }
0x4a: {  	_ =	shalt  }
0x4b: {  	_ =	shalt  }
0x4c: {  	_ =	shalt  }
0x4d: {  	_ =	shalt  }
0x4e: {  	_ =	shalt  }
0x4f: {  	_ =	shalt  }
0x50: {  	_ =	shalt  }
0x51: {  	_ =	shalt  }
0x52: {  	_ =	shalt  }
0x53: {  	_ =	shalt  }
0x54: {  	_ =	shalt  }
0x55: {  	_ =	shalt  }
0x56: {  	_ =	shalt  }
0x57: {  	_ =	shalt  }
0x58: {  	_ =	shalt  }
0x59: {  	_ =	shalt  }
0x5a: {  	_ =	shalt  }
0x5b: {  	_ =	shalt  }
0x5c: {  	_ =	shalt  }
0x5d: {  	_ =	shalt  }
0x5e: {  	_ =	shalt  }
0x5f: {  	_ =	shalt  }
0x60: {  	_ =	shalt  }
0x61: {  	_ =	shalt  }
0x62: {  	_ =	shalt  }
0x63: {  	_ =	shalt  }
0x64: {  	_ =	shalt  }
0x65: {  	_ =	shalt  }
0x66: {  	_ =	shalt  }
0x67: {  	_ =	shalt  }
0x68: {  	_ =	shalt  }
0x69: {  	_ =	shalt  }
0x6a: {  	_ =	shalt  }
0x6b: {  	_ =	shalt  }
0x6c: {  	_ =	shalt  }
0x6d: {  	_ =	shalt  }
0x6e: {  	_ =	shalt  }
0x6f: {  	_ =	shalt  }
0x70: {  	_ =	shalt  }
0x71: {  	_ =	shalt  }
0x72: {  	_ =	shalt  }
0x73: {  	_ =	shalt  }
0x74: {  	_ =	shalt  }
0x75: {  	_ =	shalt  }
0x76: {  	_ =	shalt  }
0x77: {  	_ =	shalt  }
0x78: {  	_ =	shalt  }
0x79: {  	_ =	shalt  }
0x7a: {  	_ =	shalt  }
0x7b: {  	_ =	shalt  }
0x7c: {  	_ =	shalt  }
0x7d: {  	_ =	shalt  }
0x7e: {  	_ =	shalt  }
0x7f: {  	_ =	shalt  }
0x80: {  	_ =	shalt  }
0x81: {  	_ =	shalt  }
0x82: {  	_ =	shalt  }
0x83: {  	_ =	shalt  }
0x84: {  	_ =	shalt  }
0x85: {  	_ =	shalt  }
0x86: {  	_ =	shalt  }
0x87: {  	_ =	shalt  }
.Lfunc_end0:
.L_simem_size_0:
called_computation_lowered:
.L_overlay_start_0:
0x88: {  	s2 =	sld [smem:$0x3FD9]  }
0x89: {  	s3 =	sld [smem:$0x3FFE];
	_ =	sdelay $0x1  }
0x8a: {  	s1 =	srdreg.scid  }
0x8b: {  	s0 =	sand.u32 $0x1, s1  }
0x8c: {  	s17 =	sshll.u32 s0, $0xA;
	s2 =	sadd.s32 s3, s2  }
0x8d: {  	s2 =	sadd.s32 s2, s17  }
0x8e: {  	[smem:$0x3FA6] =	sst s2  }
0x8f: {  	_ = 	snop  }
0x90: {  	s2 =	sld [smem:$0x3FC7];
	(tm) =	ssettm $0x1  }
0x91: {  	s18 =	sld [smem:$0x3FFB];
	_ =	sdelay $0x3  }
0x92: {  	_ =	strace s18  }
0x93: {  	s3 =	sld [smem:$0x3FFC];
	_ =	sdelay $0x3  }
0x94: {  	_ =	strace s3  }
0x95: {  	s3 =	sld [smem:$0x3FFD];
	_ =	sdelay $0x3  }
0x96: {  	_ =	strace s3  }
0x97: {  	_ =	strace $0x8FFFFFFF  }
0x98: {  	s19 =	sld [smem:$0x3FDB];
	_ =	sdelay $0x1  }
0x99: {  	s4 =	simm.s32 $_scs_section_size  }
0x9a: {  	s5 =	simm.s32 $_size__tile_overlayer_lowered;
	s6 =	simm.s32 $_tile_overlayer_lowered  }
0x9b: {  	s22 =	simm.s32 $0x1BFF;
	s21 =	sshll.u32 s6, $0x1;
	s3 =	sadd.s32 s4, s19  }
0x9c: {  	s7 =	simm.s32 $0x0;
	s20 =	sshll.u32 s5, $0x1;
	s5 =	sadd.s32 s21, s3  }
0x9d: {  	[timem:s7], [sflag:s22] =	dma.local [hbm:s5], s20  }
0x9e: {  	_ =	swait.ge [sflag:s22], s20  }
0x9f: {  	s4 =	ssub.s32 $0x0, s20;
	[sflag:s22] =	ssyncset.done $0x0  }
0xa0: {  	[sflag:s22] =	ssyncadd.s32 s4;
	_ =	sdelay $0x1  }
0xa1: {  	s23 =	simm.s32 $0x1B8B  }
0xa2: {  	_ =	swait.ge [sflag:s23], $0x1  }
0xa3: {  	[sflag:s23] =	ssyncset.done $0x0  }
0xa4: {  	s25 =	simm.s32 $0x1B8E;
	s24 =	sld [smem:$0x3FFE];
	[sflag:s23] =	ssyncadd.s32 $0xFFFFFFFF  }
0xa5: {  	s26 =	simm.s32 $execute0_lowered;
	[smem:$0x3FD2] =	sst s25  }
0xa6: {  	s5 =	sshll.u32 s26, $0x1;
	_ =	strace $0x80000046;
	[dreg:$0x1] =	wrdreg $0xFFFFFFFF  }
0xa7: {  	s28 =	simm.s32 $_size_execute0_lowered;
	s3 =	sadd.s32 s3, s5;
	[dreg:$0x0] =	wrdreg $0x0  }
0xa8: {  	s5 =	sshll.u32 s28, $0x1;
	[dreg:$0x2] =	wrdreg s3  }
0xa9: {  	[dreg:$0x3] =	wrdreg s5  }
0xaa: {  	[dreg:$0x4] =	wrdreg $0xC0  }
0xab: {  	_ =	task [dreg:s7], $0x5FFFF  }
0xac: {  	[dreg:$0x1] =	wrdreg $0xFFFFFFFF  }
0xad: {  	[dreg:$0x0] =	wrdreg $0x60  }
0xae: {  	[dreg:$0x2] =	wrdreg s24  }
0xaf: {  	[dreg:$0x3] =	wrdreg s2  }
0xb0: {  	[dreg:$0x4] =	wrdreg $0xA0800  }
0xb1: {  	[dreg:$0x5] =	wrdreg $0xA3000  }
0xb2: {  	[dreg:$0x6] =	wrdreg $0x9  }
0xb3: {  	_ =	task.clear_ibuf [dreg:s7], $0x7FFFF;
	_ =	strace $0x90000046  }
0xb4: {  	s29 =	simm.s32 $0x9;
	_ =	strace $0x80000048  }
0xb5: {  	_ =	swait.ge [sflag:s29], $0x1  }
0xb6: {  	[sflag:s29] =	ssyncadd.s32 $0xFFFFFFFF  }
0xb7: {  	_ =	strace $0x90000048  }
0xb8: {  	_ =	sfence  }
0xb9: {  	s30 =	sld [smem:$0x0];
	_ =	sdelay $0x2  }
0xba: {  	s31 =	sshll.u32 s1, $0xD;
	s1 =	sshrl.u32 s1, $0x2  }
0xbb: {  	s3 =	sand.u32 $0x4000, s31;
	s1 =	sadd.s32 s1, s30  }
0xbc: {  	s0 =	sor.u32 s3, s0;
	s1 =	sshll.u32 s1, $0x11  }
0xbd: {  	s0 =	sor.u32 s1, s0  }
0xbe: {  	s0 =	sadd.s32 $0x8F2B, s0  }
0xbf: {  	[sflag:s0] =	ssyncadd.remote.s32 $0x1  }
0xc0: {  	_ =	sfence.sel $0xFFFF  }
0xc1: {  	[dreg:$0x0] =	wrdreg $0xFFFFFFFF;
	(pc) =	sbr.abs _section_cstart, $3  }
0xc2: {  	[dreg:$0x1] =	wrdreg $0xFFFFFFFF  }
0xc3: {  	_ =	task.clear_ibuf [dreg:s7], $0x2FFFF;
	_ =	strace $0x9FFFFFFF  }
0xc4: {  	(tm) =	ssettm $0x7FFFFFFF  }
0xc5: {  	_ =	shalt  }
tec
execute0_lowered:
.L_overlay_start_1:
0x0: {  	(tag) =	ssettag $0x1  }
0x1: {  	s4 =	rddreg [dreg:$0x0]  }
0x2: {  	s6 =	rddreg [dreg:$0x1]  }
0x3: {  	s0 =	srdreg.scid;
	s1 =	rddreg [dreg:$0x2]  }
0x4: {  	s20 =	stileid.u32;
	s2 =	rddreg [dreg:$0x3];
	s3 =	simm.s32 $0x0  }
0x5: {  	s13 =	simm.s32 $0x4F00;
	s14 =	simm.s32 $0x9E00;
	s15 =	simm.s32 $0x5  }
0x6: {  	s16 =	simm.s32 $0x1;
	s17 =	simm.s32 $0x3;
	s18 =	simm.s32 $0x2710  }
0x7: {  	s19 =	simm.s32 $0x2;
	s21 =	simm.s32 $0x7680;
	s23 =	simm.s32 $0x0  }
0x8: {  	s5 =	sand.u32 $0x1, s0;
	[smem:$0x7FF] =	sst s3;
	s31 =	smul.u32 $0x280, s20  }
0x9: {  	p0 =	sne.s32 s20, $0x0;
	s0 =	sshll.u32 s5, $0x4;
	s8 =	ssub.s32 $0x2, s5  }
0xa: {  	s5 =	sshll.u32 s5, $0x5;
	s22 =	sshrl.u32 @!p0 s1, $0x3;
	s7 =	sor.u32 s20, s0  }
0xb: {  	s0 =	rddreg [dreg:$0x4];
	_ =	strace $0x80000047;
	s7 =	smul.u32 $0x2710, s7  }
0xc: {  	s10 =	sshrl.u32 s8, $0x1;
	s11 =	sadd.s32 s5, s4;
	s20 =	simm.s32 $0x4  }
0xd: {  	s12 =	ssub.s32 s8, s10;
	s8 =	sadd.s32 s31, s2;
	s7 =	sshrl.u32 s7, $0x3  }
0xe: {  	s10 =	sadd.s32 $0x18810, s11;
	s9 =	sadd.s32 s7, s4;
	s6 =	sadd.s32 s6, s7  }
0xf: {  	s7 =	sadd.s32 s31, s1;
	s4 =	sadd.s32 $0x4E00, s9;
	s5 =	sadd.s32 $0xEA40, s9  }
0x10: {  	v0 =	vimm.f32 $0.0e+00;
	s9 =	sadd.s32 $0x18800, s11;
	s11 =	smax.u32 s12, $0x1;
	s12 =	simm.s32 $0x2780  }
.LBB2_1:
0x11: {  	[tilespmem:s3], [sflag:$0x1] =	stream.linear.gather [hbm4b:s4+s3], $0x2710, $0x38;
	[tilespmem:$0xA580] =	vst v63  }
0x12: {  	_ = 	snop  }
0x13: {  	[tilespmem:s12], [sflag:$0x2] =	stream.linear.gather [hbm4b:s5+s3], $0x2710, $0x38;
	[tilespmem:$0xA580] =	vst v63  }
0x14: {  	_ = 	snop  }
0x15: {  	[tilespmem:s13], [sflag:$0x3] =	stream.linear.gather [hbm4b:s6+s3], $0x2710, $0x38;
	[tilespmem:$0xA580] =	vst v63  }
0x16: {  	[tilespmem:$0x9E00] =	vst v0  }
0x17: {  	[tilespmem:$0x9E10] =	vst v0  }
0x18: {  	[tilespmem:$0x9E20] =	vst v0  }
0x19: {  	[tilespmem:$0x9E30] =	vst v0  }
0x1a: {  	[tilespmem:$0x9E40] =	vst v0  }
0x1b: {  	[tilespmem:$0x9E50] =	vst v0  }
0x1c: {  	[tilespmem:$0x9E60] =	vst v0  }
0x1d: {  	[tilespmem:$0x9E70] =	vst v0  }
0x1e: {  	[tilespmem:$0x9E80] =	vst v0  }
0x1f: {  	[tilespmem:$0x9E90] =	vst v0  }
0x20: {  	[tilespmem:$0x9EA0] =	vst v0  }
0x21: {  	[tilespmem:$0x9EB0] =	vst v0  }
0x22: {  	[tilespmem:$0x9EC0] =	vst v0  }
0x23: {  	[tilespmem:$0x9ED0] =	vst v0  }
0x24: {  	[tilespmem:$0x9EE0] =	vst v0  }
0x25: {  	[tilespmem:$0x9EF0] =	vst v0  }
0x26: {  	[tilespmem:$0x9F00] =	vst v0  }
0x27: {  	[tilespmem:$0x9F10] =	vst v0  }
0x28: {  	[tilespmem:$0x9F20] =	vst v0  }
0x29: {  	[tilespmem:$0x9F30] =	vst v0  }
0x2a: {  	[tilespmem:$0x9F40] =	vst v0  }
0x2b: {  	[tilespmem:$0x9F50] =	vst v0  }
0x2c: {  	[tilespmem:$0x9F60] =	vst v0  }
0x2d: {  	[tilespmem:$0x9F70] =	vst v0  }
0x2e: {  	[tilespmem:$0x9F80] =	vst v0  }
0x2f: {  	[tilespmem:$0x9F90] =	vst v0  }
0x30: {  	[tilespmem:$0x9FA0] =	vst v0  }
0x31: {  	[tilespmem:$0x9FB0] =	vst v0  }
0x32: {  	[tilespmem:$0x9FC0] =	vst v0  }
0x33: {  	[tilespmem:$0x9FD0] =	vst v0  }
0x34: {  	[tilespmem:$0x9FE0] =	vst v0  }
0x35: {  	[tilespmem:$0x9FF0] =	vst v0  }
0x36: {  	[tilespmem:$0xA000] =	vst v0  }
0x37: {  	[tilespmem:$0xA010] =	vst v0  }
0x38: {  	[tilespmem:$0xA020] =	vst v0  }
0x39: {  	[tilespmem:$0xA030] =	vst v0  }
0x3a: {  	[tilespmem:$0xA040] =	vst v0  }
0x3b: {  	[tilespmem:$0xA050] =	vst v0  }
0x3c: {  	[tilespmem:$0xA060] =	vst v0  }
0x3d: {  	[tilespmem:$0xA070] =	vst v0  }
0x3e: {  	[spmem:s7] =	stream.linear.scatter [tilespmem:s14], [sflag:$0x5], $0x280, $0x38;
	[tilespmem:$0xA580] =	vst v63  }
0x3f: {  	_ =	swait.ge [sflag:s15], $0x280  }
0x40: {  	[sflag:s15] =	ssyncset.done $0x0  }
0x41: {  	[sflag:s15] =	ssyncadd.s32 $0xFFFFFD80  }
0x42: {  	[spmem:s8] =	stream.linear.scatter [tilespmem:s14], [sflag:$0x5], $0x280, $0x38;
	[tilespmem:$0xA580] =	vst v63  }
0x43: {  	_ =	swait.ge [sflag:s15], $0x280  }
0x44: {  	[sflag:s15] =	ssyncset.done $0x0  }
0x45: {  	[sflag:s15] =	ssyncadd.s32 $0xFFFFFD80  }
0x46: {  	[bflag:$0x0] =	sbarrier.arrive $0xFFFF  }
0x47: {  	_ =	swait.ge [sflag:s16], $0x2710  }
0x48: {  	[sflag:s16] =	ssyncset.done $0x0  }
0x49: {  	[sflag:s16] =	ssyncadd.s32 $0xFFFFD8F0  }
0x4a: {  	_ =	swait.ge [sflag:s17], $0x2710  }
0x4b: {  	[sflag:s17] =	ssyncset.done $0x0  }
0x4c: {  	[sflag:s17] =	ssyncadd.s32 $0xFFFFD8F0  }
0x4d: {  	[spmem:s1] =	stream.indirect.scatter.add.f32 [tilespmem:s13], [sflag:$0x4], $0x1, s3, s18, $0xb8;
	[tilespmem:$0xA580] =	vst v63  }
0x4e: {  	_ =	swait.ge [sflag:s19], $0x2710  }
0x4f: {  	[sflag:s19] =	ssyncset.done $0x0  }
0x50: {  	s24 =	simm.s32 $0x0;
	[sflag:s19] =	ssyncadd.s32 $0xFFFFD8F0  }
0x51: {  	v1 =	vld [tilespmem:s24+$0x2780]  }
0x52: {  	s25 =	simm.s32 $0x40;
	v2 =	vld [tilespmem:s24+$0x4F00]  }
.LBB2_2:
0x53: {  	p1 =	sne.s32 s25, $0x9C00  }
.Ltmp0:
0x54: {  	_ = 	snop;
	(pc) =	sbr.rel @p1 .LBB2_2-.Ltmp0, $4  }
0x55: {  	_ = 	snop  }
0x56: {  	s26 =	sshra.s32 s25, $0x2;
	s25 =	sadd.s32 $0x40, s25;
	vm0 =	veq.s32 v1, $0x0  }
0x57: {  	v1 =	vld [tilespmem:s26+$0x2780];
	v3 =	vnsel vm0, $0x0, v2  }
0x58: {  	v2 =	vld [tilespmem:s26+$0x4F00];
	[tilespmem:s24+$0x7680] =	vst v3;
	s24 =	smov.u32 s26  }
0x59: {  	_ =	sdelay $0x2  }
0x5a: {  	vm0 =	veq.s32 v1, $0x0  }
0x5b: {  	v1 =	vnsel vm0, $0x0, v2  }
0x5c: {  	[tilespmem:s24+$0x7680] =	vst v1  }
0x5d: {  	_ =	swait.ge [sflag:s20], $0x2710  }
0x5e: {  	[sflag:s20] =	ssyncset.done $0x0  }
0x5f: {  	[sflag:s20] =	ssyncadd.s32 $0xFFFFD8F0  }
0x60: {  	[spmem:s2] =	stream.indirect.scatter.add.f32 [tilespmem:s21], [sflag:$0x5], $0x1, s3, s18, $0xb8;
	[tilespmem:$0xA580] =	vst v63  }
0x61: {  	_ =	swait.ge [sflag:s15], $0x2710  }
0x62: {  	s25 =	simm.s32 @!p0 $0x40;
	[sflag:s15] =	ssyncset.done $0x0  }
0x63: {  	s26 =	simm.s32 @!p0 $0x10;
	s28 =	simm.s32 @!p0 $0x1C05;
	[sflag:s15] =	ssyncadd.s32 $0xFFFFD8F0  }
0x64: {  	s29 =	simm.s32 @!p0 $0x5;
	s24 =	simm.s32 @!p0 $0x1;
	[bflag:$0x0] =	sbarrier.arrive $0xFFFF  }
0x65: {  	[hbm:s9@s25], [sflag:s28] =	dma.strided @!p0 [spmem:s22@s26], $0x500, s24, $0x10   }
0x66: {  	s23 =	sadd.s32 $0x1, s23;
	_ =	swait.ge @!p0 [sflag:s29], $0x500  }
0x67: {  	p1 =	sne.s32 s23, s11;
	[sflag:s29] =	ssyncset.done @!p0 $0x0  }
.Ltmp1:
0x68: {  	s30 =	sshrl.u32 @!p0 s2, $0x3;
	[sflag:s29] =	ssyncadd.s32 @!p0 $0xFFFFFB00;
	(pc) =	sbr.rel @p1 .LBB2_1-.Ltmp1, $4  }
0x69: {  	[hbm:s10@s25], [sflag:s28] =	dma.strided @!p0 [spmem:s30@s26], $0x500, s24, $0x10   }
0x6a: {  	_ =	swait.ge @!p0 [sflag:s29], $0x500  }
0x6b: {  	[sflag:s29] =	ssyncset.done @!p0 $0x0  }
0x6c: {  	[sflag:s29] =	ssyncadd.s32 @!p0 $0xFFFFFB00  }
0x6d: {  	_ =	sfence.sel $0x180000  }
0x6e: {  	[bflag:$0x0] =	sbarrier.arrive $0xFFFF  }
0x6f: {  	_ =	strace $0x90000047  }
0x70: {  	s0 =	sadd.s32 @!p0 $0x100000, s0;
	[bflag:$0x2] =	sbarrier.arrive $0xFFFF  }
0x71: {  	[sflag:s0] =	ssyncadd.tile.s32 @!p0 $0x1;
	_ =	shalt  }
.Lfunc_end2:
_tile_overlayer_lowered:
.L_overlay_start_2:
0x72: {  	(tag) =	ssettag $0x2  }
0x73: {  	s0 =	rddreg [dreg:$0x0];
	s2 =	stileid.u32  }
0x74: {  	s1 =	rddreg [dreg:$0x1];
	p0 =	sne.s32 s2, $0x0  }
0x75: {  	s3 =	rddreg [dreg:$0x2];
	[bflag:$0x3] =	sbarrier.arrive $0xFFFF;
	s2 =	simm.s32 @!p0 $0x1C05  }
0x76: {  	[timem:s3], [sflag:s2] =	dma.local @!p0 [hbm:s0], s1  }
0x77: {  	s0 =	simm.s32 @!p0 $0x5  }
0x78: {  	_ =	swait.ge @!p0 [sflag:s0], s1  }
0x79: {  	s1 =	ssub.s32 @!p0 $0x0, s1;
	[sflag:s0] =	ssyncset.done @!p0 $0x0  }
0x7a: {  	[sflag:s0] =	ssyncadd.s32 @!p0 s1  }
0x7b: {  	[bflag:$0x3] =	sbarrier.arrive $0xFFFF  }
0x7c: {  	_ =	shalt  }

</sc_bundles>
